<compile_context>
chip_gen: v7x
topology: tpu7x:2x2x1
jax: 0.10.2.dev20260603
libtpu: 0.0.44.dev20260713+nightly
codegen_flags: <defaults>
</compile_context>

<pallas_src>
import functools

import jax
import jax.numpy as jnp
from jax import lax
from jax.experimental import pallas as pl
from jax.experimental.pallas import tpu as pltpu
from jax.experimental.pallas import tpu_sc as plsc

NUM_TOKENS = 100000
EMBED_DIM = 300
HEAD = 256
TAIL = EMBED_DIM - HEAD
BATCH = 4096
SEQ = 200

NC = 2
NS = 16
NW = NC * NS

CHUNK = 64
N_FLAT = BATCH * SEQ
B_PER_W = N_FLAT // NW
BATCH_PER_W = BATCH // NW
N_CHUNKS = B_PER_W // CHUNK
ROW_UNROLL = 8


def _sc_gather(table, tail_tab, idx_flat):
    mesh = plsc.VectorSubcoreMesh(core_axis_name="c", subcore_axis_name="s")

    @functools.partial(
        pl.kernel,
        mesh=mesh,
        out_type=jax.ShapeDtypeStruct((N_FLAT, EMBED_DIM), jnp.float32),
        scratch_types=[
            pltpu.VMEM((B_PER_W,), jnp.int32),
            pltpu.VMEM((CHUNK, EMBED_DIM), jnp.float32),
            pltpu.VMEM((CHUNK, EMBED_DIM), jnp.float32),
            pltpu.VMEM((CHUNK, 128), jnp.float32),
            pltpu.VMEM((CHUNK, 128), jnp.float32),
            pltpu.SemaphoreType.DMA,
            pltpu.SemaphoreType.DMA,
            pltpu.SemaphoreType.DMA,
            pltpu.SemaphoreType.DMA,
        ],
        compiler_params=pltpu.CompilerParams(needs_layout_passes=False),
    )
    def k(table_hbm, tail_hbm, idx_hbm, out_hbm,
          idx_v, rows0, rows1, tail0, tail1, gs0, gs1, ss0, ss1):
        wid = lax.axis_index("s") * NC + lax.axis_index("c")
        base = wid * B_PER_W
        pltpu.sync_copy(idx_hbm.at[pl.ds(base, B_PER_W)], idx_v)

        rows = (rows0, rows1)
        tails = (tail0, tail1)
        gsems = (gs0, gs1)
        ssems = (ss0, ss1)

        def gather(c, b):
            idx_c = idx_v.at[pl.ds(c * CHUNK, CHUNK)]
            pltpu.make_async_copy(
                table_hbm.at[idx_c, pl.ds(0, HEAD)],
                rows[b].at[:, pl.ds(0, HEAD)],
                gsems[b],
            ).start()
            pltpu.make_async_copy(
                tail_hbm.at[idx_c], tails[b], gsems[b]
            ).start()

        def gather_wait(c, b):
            idx_c = idx_v.at[pl.ds(c * CHUNK, CHUNK)]
            pltpu.make_async_copy(
                table_hbm.at[idx_c, pl.ds(0, HEAD)],
                rows[b].at[:, pl.ds(0, HEAD)],
                gsems[b],
            ).wait()
            pltpu.make_async_copy(
                tail_hbm.at[idx_c], tails[b], gsems[b]
            ).wait()

        def out_slice(c):
            return out_hbm.at[pl.ds(base + c * CHUNK, CHUNK)]

        def store(c, b):
            pltpu.make_async_copy(rows[b], out_slice(c), ssems[b]).start()

        def store_wait(c, b):
            pltpu.make_async_copy(rows[b], out_slice(c), ssems[b]).wait()

        col_last = jnp.minimum(
            jnp.full((16,), HEAD + 32, jnp.int32) + lax.iota(jnp.int32, 16),
            jnp.full((16,), EMBED_DIM - 1, jnp.int32),
        )
        last_mask = lax.iota(jnp.int32, 16) < jnp.full((16,), TAIL - 32, jnp.int32)

        def patch_tail(b):
            rb = rows[b]
            tb = tails[b]

            def row_body(r0, carry):
                for u in range(ROW_UNROLL):
                    r = r0 * ROW_UNROLL + u
                    row16 = jnp.full((16,), 0, jnp.int32) + r
                    x0 = tb[r, pl.ds(0, 16)]
                    x1 = tb[r, pl.ds(16, 16)]
                    x2 = tb[r, pl.ds(32, 16)]
                    rb[r, pl.ds(HEAD, 16)] = x0
                    rb[r, pl.ds(HEAD + 16, 16)] = x1
                    plsc.store_scatter(rb, [row16, col_last], x2, mask=last_mask)
                return carry

            lax.fori_loop(0, CHUNK // ROW_UNROLL, row_body, 0)

        gather(0, 0)
        gather(1, 1)

        def pair_body(i, carry):
            c0 = 2 * i
            c1 = 2 * i + 1
            gather_wait(c0, 0)
            patch_tail(0)
            store(c0, 0)
            gather_wait(c1, 1)
            patch_tail(1)
            store(c1, 1)

            @pl.when(i + 1 < N_CHUNKS // 2)
            def _():
                store_wait(c0, 0)
                gather(c0 + 2, 0)
                store_wait(c1, 1)
                gather(c1 + 2, 1)
            return carry

        lax.fori_loop(0, N_CHUNKS // 2, pair_body, 0)
        store_wait(N_CHUNKS - 2, 0)
        store_wait(N_CHUNKS - 1, 1)

    return k(table, tail_tab, idx_flat)


def kernel(inputs, table):
    tail_tab = jnp.pad(table[:, HEAD:], ((0, 0), (0, 128 - TAIL)))
    out = _sc_gather(table, tail_tab, inputs.reshape(-1))
    return out.reshape(BATCH, SEQ, EMBED_DIM)

# --- scband reference (transcript-rebuilt; emitter-appended) ---
"""Pipeline reference for scband-glove-embedding-layer-2473901162895 (READ-ONLY COPY).

The authoritative reference and input builder live on the scoring server;
editing this copy changes nothing except your own understanding.
"""

import jax, jax.numpy as jnp
import numpy as np

NUM_TOKENS = 100000
EMBED_DIM = 300
BATCH = 4096
SEQ = 200

def setup_inputs(seed: int = 0) -> dict:
    key = jax.random.key(seed)
    k1, k2 = jax.random.split(key)
    inputs = jax.random.randint(k1, (BATCH, SEQ), 0, NUM_TOKENS, dtype=jnp.int64 if jax.config.read('jax_enable_x64') else jnp.int32).astype(jnp.int32)
    # Embedding table stands in for the GloVe-initialized (frozen) matrix
    table = jax.random.normal(k2, (NUM_TOKENS, EMBED_DIM), dtype=jnp.float32) * 0.1
    return {"inputs": inputs, "table": table}

def reference(inputs, table):
    # GloveEmbeddingLayer.call -> Embedding lookup: table[inputs]
    return jnp.take(table, inputs, axis=0)

if __name__ == "__main__":
    import jax
    _d = setup_inputs()
    print(jax.jit(kernel)(*tuple(_d.values())))

</pallas_src>

<mosaic_0001>
#map = affine_map<(d0, d1) -> (0, 0)>
#map1 = affine_map<(d0, d1) -> (0)>
module attributes {stable_mosaic.version = 14 : i64} {
  func.func @k(%arg0: i32, %arg1: i32, %arg2: memref<100000x300xf32, #tpu.memory_space<hbm>>, %arg3: memref<100000x128xf32, #tpu.memory_space<hbm>>, %arg4: memref<819200xi32, #tpu.memory_space<hbm>>, %arg5: memref<819200x300xf32, #tpu.memory_space<hbm>>, %arg6: memref<25600xi32, #tpu.memory_space<vmem>>, %arg7: memref<64x300xf32, #tpu.memory_space<vmem>>, %arg8: memref<64x300xf32, #tpu.memory_space<vmem>>, %arg9: memref<64x128xf32, #tpu.memory_space<vmem>>, %arg10: memref<64x128xf32, #tpu.memory_space<vmem>>, %arg11: memref<!tpu.dma_semaphore, #tpu.memory_space<semaphore_mem>>, %arg12: memref<!tpu.dma_semaphore, #tpu.memory_space<semaphore_mem>>, %arg13: memref<!tpu.dma_semaphore, #tpu.memory_space<semaphore_mem>>, %arg14: memref<!tpu.dma_semaphore, #tpu.memory_space<semaphore_mem>>) attributes {dimension_semantics = [#tpu.dimension_semantics<core_parallel>, #tpu.dimension_semantics<subcore_parallel>], iteration_bounds = array<i64: 2, 16>, scalar_prefetch = 0 : i64, scratch_operands = 9 : i64, tpu.core_type = #tpu.core_type<sc_vector_subcore>, window_params = [{transform_indices = #map}, {transform_indices = #map}, {transform_indices = #map1}, {transform_indices = #map}]} {
    %mul3A = arith.constant 2 : i32
    %mul3A_0 = arith.muli %arg1, %mul3A : i32
    %add3A = arith.addi %mul3A_0, %arg0 : i32
    %mul3A_1 = arith.constant 25600 : i32
    %mul3A_2 = arith.muli %add3A, %mul3A_1 : i32
    "tpu.region"() ({
      %run_scoped3A = tpu.sem_alloc : memref<!tpu.dma_semaphore, #tpu.memory_space<semaphore_mem>>
      %dma_start3A_51 = tpu.memref_slice %arg4[%mul3A_2] : memref<819200xi32, #tpu.memory_space<hbm>> -> memref<25600xi32, #tpu.memory_space<hbm>>
      %dma_start3A_52 = tpu.memref_slice %arg4[%mul3A_2] : memref<819200xi32, #tpu.memory_space<hbm>> -> memref<25600xi32, #tpu.memory_space<hbm>>
      tpu.enqueue_dma source(%dma_start3A_52 : memref<25600xi32, #tpu.memory_space<hbm>>) target(%arg6 : memref<25600xi32, #tpu.memory_space<vmem>>) target_semaphore(%run_scoped3A : memref<!tpu.dma_semaphore, #tpu.memory_space<semaphore_mem>>)
      %dma_wait3A_53 = tpu.memref_slice %arg4[%mul3A_2] : memref<819200xi32, #tpu.memory_space<hbm>> -> memref<25600xi32, #tpu.memory_space<hbm>>
      %dma_wait3A_54 = tpu.memref_slice %arg4[%mul3A_2] : memref<819200xi32, #tpu.memory_space<hbm>> -> memref<25600xi32, #tpu.memory_space<hbm>>
      tpu.wait_dma2 semaphore(%run_scoped3A : memref<!tpu.dma_semaphore, #tpu.memory_space<semaphore_mem>>) src(%dma_wait3A_54 : memref<25600xi32, #tpu.memory_space<hbm>>) dst(%arg6 : memref<25600xi32, #tpu.memory_space<vmem>>)
      tpu.yield
    }) : () -> ()
    %broadcast_in_dim3A = arith.constant 288 : i32
    %broadcast_in_dim3A_3 = vector.broadcast %broadcast_in_dim3A : i32 to vector<16xi32>
    %iota3A = tpu.iota {dimensions = array<i32: 0>} : vector<16xi32>
    %add3A_4 = arith.addi %broadcast_in_dim3A_3, %iota3A : vector<16xi32>
    %broadcast_in_dim3A_5 = arith.constant 299 : i32
    %broadcast_in_dim3A_6 = vector.broadcast %broadcast_in_dim3A_5 : i32 to vector<16xi32>
    %min3A = arith.minsi %add3A_4, %broadcast_in_dim3A_6 : vector<16xi32>
    %iota3A_7 = tpu.iota {dimensions = array<i32: 0>} : vector<16xi32>
    %broadcast_in_dim3A_8 = arith.constant 12 : i32
    %broadcast_in_dim3A_9 = vector.broadcast %broadcast_in_dim3A_8 : i32 to vector<16xi32>
    %lt3A = arith.cmpi slt, %iota3A_7, %broadcast_in_dim3A_9 : vector<16xi32>
    %dma_start3A = arith.constant 0 : i32
    %dma_start3A_10 = arith.constant 0 : i32
    %dma_start3A_11 = tpu.memref_slice %arg7[%dma_start3A, %dma_start3A_10] : memref<64x300xf32, #tpu.memory_space<vmem>> -> memref<64x256xf32, #tpu.memory_space<vmem>>
    %dma_start3A_12 = arith.constant 0 : i32
    %dma_start3A_13 = tpu.memref_slice %arg6[%dma_start3A_12] : memref<25600xi32, #tpu.memory_space<vmem>> -> memref<64xi32, #tpu.memory_space<vmem>>
    %dma_start3A_14 = arith.constant 0 : i32
    %dma_start3A_15 = arith.constant 0 : i32
    %dma_start3A_16 = tpu.memref_slice %arg2[%dma_start3A_14, %dma_start3A_15] : memref<100000x300xf32, #tpu.memory_space<hbm>> -> memref<100000x256xf32, #tpu.memory_space<hbm>>
    tpu.enqueue_indirect_dma source(%dma_start3A_16 : memref<100000x256xf32, #tpu.memory_space<hbm>>) target(%dma_start3A_11 : memref<64x256xf32, #tpu.memory_space<vmem>>) offsets(%dma_start3A_13 : memref<64xi32, #tpu.memory_space<vmem>>) semaphore(%arg11 : memref<!tpu.dma_semaphore, #tpu.memory_space<semaphore_mem>>)
    %dma_start3A_17 = arith.constant 0 : i32
    %dma_start3A_18 = tpu.memref_slice %arg6[%dma_start3A_17] : memref<25600xi32, #tpu.memory_space<vmem>> -> memref<64xi32, #tpu.memory_space<vmem>>
    %dma_start3A_19 = arith.constant 0 : i32
    %dma_start3A_20 = arith.constant 0 : i32
    %dma_start3A_21 = tpu.memref_slice %arg3[%dma_start3A_19, %dma_start3A_20] : memref<100000x128xf32, #tpu.memory_space<hbm>> -> memref<100000x128xf32, #tpu.memory_space<hbm>>
    tpu.enqueue_indirect_dma source(%dma_start3A_21 : memref<100000x128xf32, #tpu.memory_space<hbm>>) target(%arg9 : memref<64x128xf32, #tpu.memory_space<vmem>>) offsets(%dma_start3A_18 : memref<64xi32, #tpu.memory_space<vmem>>) semaphore(%arg11 : memref<!tpu.dma_semaphore, #tpu.memory_space<semaphore_mem>>)
    %dma_start3A_22 = arith.constant 0 : i32
    %dma_start3A_23 = arith.constant 0 : i32
    %dma_start3A_24 = tpu.memref_slice %arg8[%dma_start3A_22, %dma_start3A_23] : memref<64x300xf32, #tpu.memory_space<vmem>> -> memref<64x256xf32, #tpu.memory_space<vmem>>
    %dma_start3A_25 = arith.constant 64 : i32
    %dma_start3A_26 = tpu.memref_slice %arg6[%dma_start3A_25] : memref<25600xi32, #tpu.memory_space<vmem>> -> memref<64xi32, #tpu.memory_space<vmem>>
    %dma_start3A_27 = arith.constant 0 : i32
    %dma_start3A_28 = arith.constant 0 : i32
    %dma_start3A_29 = tpu.memref_slice %arg2[%dma_start3A_27, %dma_start3A_28] : memref<100000x300xf32, #tpu.memory_space<hbm>> -> memref<100000x256xf32, #tpu.memory_space<hbm>>
    tpu.enqueue_indirect_dma source(%dma_start3A_29 : memref<100000x256xf32, #tpu.memory_space<hbm>>) target(%dma_start3A_24 : memref<64x256xf32, #tpu.memory_space<vmem>>) offsets(%dma_start3A_26 : memref<64xi32, #tpu.memory_space<vmem>>) semaphore(%arg12 : memref<!tpu.dma_semaphore, #tpu.memory_space<semaphore_mem>>)
    %dma_start3A_30 = arith.constant 64 : i32
    %dma_start3A_31 = tpu.memref_slice %arg6[%dma_start3A_30] : memref<25600xi32, #tpu.memory_space<vmem>> -> memref<64xi32, #tpu.memory_space<vmem>>
    %dma_start3A_32 = arith.constant 0 : i32
    %dma_start3A_33 = arith.constant 0 : i32
    %dma_start3A_34 = tpu.memref_slice %arg3[%dma_start3A_32, %dma_start3A_33] : memref<100000x128xf32, #tpu.memory_space<hbm>> -> memref<100000x128xf32, #tpu.memory_space<hbm>>
    tpu.enqueue_indirect_dma source(%dma_start3A_34 : memref<100000x128xf32, #tpu.memory_space<hbm>>) target(%arg10 : memref<64x128xf32, #tpu.memory_space<vmem>>) offsets(%dma_start3A_31 : memref<64xi32, #tpu.memory_space<vmem>>) semaphore(%arg12 : memref<!tpu.dma_semaphore, #tpu.memory_space<semaphore_mem>>)
    %scan3A = arith.constant 0 : i32
    %scan3A_35 = arith.constant 0 : i32
    %scan3A_36 = arith.constant 200 : i32
    %scan3A_37 = arith.addi %scan3A_35, %scan3A_36 : i32
    %scan3A_38 = arith.constant 1 : i32
    scf.for %scan3A_51 = %scan3A_35 to %scan3A_37 step %scan3A_38  : i32 {
      %mul3A_52 = arith.constant 2 : i32
      %mul3A_53 = arith.muli %mul3A_52, %scan3A_51 : i32
      %mul3A_54 = arith.constant 2 : i32
      %mul3A_55 = arith.muli %mul3A_54, %scan3A_51 : i32
      %add3A_56 = arith.constant 1 : i32
      %add3A_57 = arith.addi %mul3A_55, %add3A_56 : i32
      %mul3A_58 = arith.constant 64 : i32
      %mul3A_59 = arith.muli %mul3A_53, %mul3A_58 : i32
      %dma_wait3A_60 = arith.constant 0 : i32
      %dma_wait3A_61 = arith.constant 0 : i32
      %dma_wait3A_62 = tpu.memref_slice %arg7[%dma_wait3A_60, %dma_wait3A_61] : memref<64x300xf32, #tpu.memory_space<vmem>> -> memref<64x256xf32, #tpu.memory_space<vmem>>
      %dma_wait3A_63 = tpu.memref_slice %arg6[%mul3A_59] : memref<25600xi32, #tpu.memory_space<vmem>> -> memref<64xi32, #tpu.memory_space<vmem>>
      %dma_wait3A_64 = arith.constant 0 : i32
      %dma_wait3A_65 = arith.constant 0 : i32
      %dma_wait3A_66 = tpu.memref_slice %arg2[%dma_wait3A_64, %dma_wait3A_65] : memref<100000x300xf32, #tpu.memory_space<hbm>> -> memref<100000x256xf32, #tpu.memory_space<hbm>>
      tpu.wait_indirect_dma semaphore(%arg11 : memref<!tpu.dma_semaphore, #tpu.memory_space<semaphore_mem>>) src(%dma_wait3A_66 : memref<100000x256xf32, #tpu.memory_space<hbm>>) dst(%dma_wait3A_62 : memref<64x256xf32, #tpu.memory_space<vmem>>)
      %dma_wait3A_67 = tpu.memref_slice %arg6[%mul3A_59] : memref<25600xi32, #tpu.memory_space<vmem>> -> memref<64xi32, #tpu.memory_space<vmem>>
      %dma_wait3A_68 = arith.constant 0 : i32
      %dma_wait3A_69 = arith.constant 0 : i32
      %dma_wait3A_70 = tpu.memref_slice %arg3[%dma_wait3A_68, %dma_wait3A_69] : memref<100000x128xf32, #tpu.memory_space<hbm>> -> memref<100000x128xf32, #tpu.memory_space<hbm>>
      tpu.wait_indirect_dma semaphore(%arg11 : memref<!tpu.dma_semaphore, #tpu.memory_space<semaphore_mem>>) src(%dma_wait3A_70 : memref<100000x128xf32, #tpu.memory_space<hbm>>) dst(%arg9 : memref<64x128xf32, #tpu.memory_space<vmem>>)
      %scan3A_71 = arith.constant 0 : i32
      %scan3A_72 = arith.constant 0 : i32
      %scan3A_73 = arith.constant 8 : i32
      %scan3A_74 = arith.addi %scan3A_72, %scan3A_73 : i32
      %scan3A_75 = arith.constant 1 : i32
      scf.for %scan3A_115 = %scan3A_72 to %scan3A_74 step %scan3A_75  : i32 {
        %mul3A_116 = arith.constant 8 : i32
        %mul3A_117 = arith.muli %scan3A_115, %mul3A_116 : i32
        %add3A_118 = arith.constant 0 : i32
        %add3A_119 = arith.addi %mul3A_117, %add3A_118 : i32
        %broadcast_in_dim3A_120 = arith.constant 0 : i32
        %broadcast_in_dim3A_121 = vector.broadcast %broadcast_in_dim3A_120 : i32 to vector<16xi32>
        %add3A_122 = vector.broadcast %add3A_119 : i32 to vector<16xi32>
        %add3A_123 = arith.addi %broadcast_in_dim3A_121, %add3A_122 : vector<16xi32>
        %get3A = arith.index_cast %add3A_119 : i32 to index
        %get3A_124 = arith.constant 0 : index
        %get3A_125 = tpu.vector_load %arg9[%get3A, %get3A_124] {strides = array<i32>} : memref<64x128xf32, #tpu.memory_space<vmem>>, vector<16xf32>,
        %get3A_126 = arith.index_cast %add3A_119 : i32 to index
        %get3A_127 = arith.constant 16 : index
        %get3A_128 = tpu.vector_load %arg9[%get3A_126, %get3A_127] {strides = array<i32>} : memref<64x128xf32, #tpu.memory_space<vmem>>, vector<16xf32>,
        %get3A_129 = arith.index_cast %add3A_119 : i32 to index
        %get3A_130 = arith.constant 32 : index
        %get3A_131 = tpu.vector_load %arg9[%get3A_129, %get3A_130] {strides = array<i32>} : memref<64x128xf32, #tpu.memory_space<vmem>>, vector<16xf32>,
        %swap3A = arith.index_cast %add3A_119 : i32 to index
        %swap3A_132 = arith.constant 256 : index
        %swap3A_133 = tpu.vector_load %arg7[%swap3A, %swap3A_132] {strides = array<i32>} : memref<64x300xf32, #tpu.memory_space<vmem>>, vector<16xf32>,
        tpu.vector_store %arg7[%swap3A, %swap3A_132], %get3A_125 {strides = array<i32>} : memref<64x300xf32, #tpu.memory_space<vmem>>, vector<16xf32>,
        %swap3A_134 = arith.index_cast %add3A_119 : i32 to index
        %swap3A_135 = arith.constant 272 : index
        %swap3A_136 = tpu.vector_load %arg7[%swap3A_134, %swap3A_135] {strides = array<i32>} : memref<64x300xf32, #tpu.memory_space<vmem>>, vector<16xf32>,
        tpu.vector_store %arg7[%swap3A_134, %swap3A_135], %get3A_128 {strides = array<i32>} : memref<64x300xf32, #tpu.memory_space<vmem>>, vector<16xf32>,
        tpu.vector_store_idx %arg7[%add3A_123, %min3A], %get3A_131 masked %lt3A : memref<64x300xf32, #tpu.memory_space<vmem>>[vector<16xi32>, vector<16xi32>], vector<16xf32>, vector<16xi1>
        %mul3A_137 = arith.constant 8 : i32
        %mul3A_138 = arith.muli %scan3A_115, %mul3A_137 : i32
        %add3A_139 = arith.constant 1 : i32
        %add3A_140 = arith.addi %mul3A_138, %add3A_139 : i32
        %broadcast_in_dim3A_141 = arith.constant 0 : i32
        %broadcast_in_dim3A_142 = vector.broadcast %broadcast_in_dim3A_141 : i32 to vector<16xi32>
        %add3A_143 = vector.broadcast %add3A_140 : i32 to vector<16xi32>
        %add3A_144 = arith.addi %broadcast_in_dim3A_142, %add3A_143 : vector<16xi32>
        %get3A_145 = arith.index_cast %add3A_140 : i32 to index
        %get3A_146 = arith.constant 0 : index
        %get3A_147 = tpu.vector_load %arg9[%get3A_145, %get3A_146] {strides = array<i32>} : memref<64x128xf32, #tpu.memory_space<vmem>>, vector<16xf32>,
        %get3A_148 = arith.index_cast %add3A_140 : i32 to index
        %get3A_149 = arith.constant 16 : index
        %get3A_150 = tpu.vector_load %arg9[%get3A_148, %get3A_149] {strides = array<i32>} : memref<64x128xf32, #tpu.memory_space<vmem>>, vector<16xf32>,
        %get3A_151 = arith.index_cast %add3A_140 : i32 to index
        %get3A_152 = arith.constant 32 : index
        %get3A_153 = tpu.vector_load %arg9[%get3A_151, %get3A_152] {strides = array<i32>} : memref<64x128xf32, #tpu.memory_space<vmem>>, vector<16xf32>,
        %swap3A_154 = arith.index_cast %add3A_140 : i32 to index
        %swap3A_155 = arith.constant 256 : index
        %swap3A_156 = tpu.vector_load %arg7[%swap3A_154, %swap3A_155] {strides = array<i32>} : memref<64x300xf32, #tpu.memory_space<vmem>>, vector<16xf32>,
        tpu.vector_store %arg7[%swap3A_154, %swap3A_155], %get3A_147 {strides = array<i32>} : memref<64x300xf32, #tpu.memory_space<vmem>>, vector<16xf32>,
        %swap3A_157 = arith.index_cast %add3A_140 : i32 to index
        %swap3A_158 = arith.constant 272 : index
        %swap3A_159 = tpu.vector_load %arg7[%swap3A_157, %swap3A_158] {strides = array<i32>} : memref<64x300xf32, #tpu.memory_space<vmem>>, vector<16xf32>,
        tpu.vector_store %arg7[%swap3A_157, %swap3A_158], %get3A_150 {strides = array<i32>} : memref<64x300xf32, #tpu.memory_space<vmem>>, vector<16xf32>,
        tpu.vector_store_idx %arg7[%add3A_144, %min3A], %get3A_153 masked %lt3A : memref<64x300xf32, #tpu.memory_space<vmem>>[vector<16xi32>, vector<16xi32>], vector<16xf32>, vector<16xi1>
        %mul3A_160 = arith.constant 8 : i32
        %mul3A_161 = arith.muli %scan3A_115, %mul3A_160 : i32
        %add3A_162 = arith.constant 2 : i32
        %add3A_163 = arith.addi %mul3A_161, %add3A_162 : i32
        %broadcast_in_dim3A_164 = arith.constant 0 : i32
        %broadcast_in_dim3A_165 = vector.broadcast %broadcast_in_dim3A_164 : i32 to vector<16xi32>
        %add3A_166 = vector.broadcast %add3A_163 : i32 to vector<16xi32>
        %add3A_167 = arith.addi %broadcast_in_dim3A_165, %add3A_166 : vector<16xi32>
        %get3A_168 = arith.index_cast %add3A_163 : i32 to index
        %get3A_169 = arith.constant 0 : index
        %get3A_170 = tpu.vector_load %arg9[%get3A_168, %get3A_169] {strides = array<i32>} : memref<64x128xf32, #tpu.memory_space<vmem>>, vector<16xf32>,
        %get3A_171 = arith.index_cast %add3A_163 : i32 to index
        %get3A_172 = arith.constant 16 : index
        %get3A_173 = tpu.vector_load %arg9[%get3A_171, %get3A_172] {strides = array<i32>} : memref<64x128xf32, #tpu.memory_space<vmem>>, vector<16xf32>,
        %get3A_174 = arith.index_cast %add3A_163 : i32 to index
        %get3A_175 = arith.constant 32 : index
        %get3A_176 = tpu.vector_load %arg9[%get3A_174, %get3A_175] {strides = array<i32>} : memref<64x128xf32, #tpu.memory_space<vmem>>, vector<16xf32>,
        %swap3A_177 = arith.index_cast %add3A_163 : i32 to index
        %swap3A_178 = arith.constant 256 : index
        %swap3A_179 = tpu.vector_load %arg7[%swap3A_177, %swap3A_178] {strides = array<i32>} : memref<64x300xf32, #tpu.memory_space<vmem>>, vector<16xf32>,
        tpu.vector_store %arg7[%swap3A_177, %swap3A_178], %get3A_170 {strides = array<i32>} : memref<64x300xf32, #tpu.memory_space<vmem>>, vector<16xf32>,
        %swap3A_180 = arith.index_cast %add3A_163 : i32 to index
        %swap3A_181 = arith.constant 272 : index
        %swap3A_182 = tpu.vector_load %arg7[%swap3A_180, %swap3A_181] {strides = array<i32>} : memref<64x300xf32, #tpu.memory_space<vmem>>, vector<16xf32>,
        tpu.vector_store %arg7[%swap3A_180, %swap3A_181], %get3A_173 {strides = array<i32>} : memref<64x300xf32, #tpu.memory_space<vmem>>, vector<16xf32>,
        tpu.vector_store_idx %arg7[%add3A_167, %min3A], %get3A_176 masked %lt3A : memref<64x300xf32, #tpu.memory_space<vmem>>[vector<16xi32>, vector<16xi32>], vector<16xf32>, vector<16xi1>
        %mul3A_183 = arith.constant 8 : i32
        %mul3A_184 = arith.muli %scan3A_115, %mul3A_183 : i32
        %add3A_185 = arith.constant 3 : i32
        %add3A_186 = arith.addi %mul3A_184, %add3A_185 : i32
        %broadcast_in_dim3A_187 = arith.constant 0 : i32
        %broadcast_in_dim3A_188 = vector.broadcast %broadcast_in_dim3A_187 : i32 to vector<16xi32>
        %add3A_189 = vector.broadcast %add3A_186 : i32 to vector<16xi32>
        %add3A_190 = arith.addi %broadcast_in_dim3A_188, %add3A_189 : vector<16xi32>
        %get3A_191 = arith.index_cast %add3A_186 : i32 to index
        %get3A_192 = arith.constant 0 : index
        %get3A_193 = tpu.vector_load %arg9[%get3A_191, %get3A_192] {strides = array<i32>} : memref<64x128xf32, #tpu.memory_space<vmem>>, vector<16xf32>,
        %get3A_194 = arith.index_cast %add3A_186 : i32 to index
        %get3A_195 = arith.constant 16 : index
        %get3A_196 = tpu.vector_load %arg9[%get3A_194, %get3A_195] {strides = array<i32>} : memref<64x128xf32, #tpu.memory_space<vmem>>, vector<16xf32>,
        %get3A_197 = arith.index_cast %add3A_186 : i32 to index
        %get3A_198 = arith.constant 32 : index
        %get3A_199 = tpu.vector_load %arg9[%get3A_197, %get3A_198] {strides = array<i32>} : memref<64x128xf32, #tpu.memory_space<vmem>>, vector<16xf32>,
        %swap3A_200 = arith.index_cast %add3A_186 : i32 to index
        %swap3A_201 = arith.constant 256 : index
        %swap3A_202 = tpu.vector_load %arg7[%swap3A_200, %swap3A_201] {strides = array<i32>} : memref<64x300xf32, #tpu.memory_space<vmem>>, vector<16xf32>,
        tpu.vector_store %arg7[%swap3A_200, %swap3A_201], %get3A_193 {strides = array<i32>} : memref<64x300xf32, #tpu.memory_space<vmem>>, vector<16xf32>,
        %swap3A_203 = arith.index_cast %add3A_186 : i32 to index
        %swap3A_204 = arith.constant 272 : index
        %swap3A_205 = tpu.vector_load %arg7[%swap3A_203, %swap3A_204] {strides = array<i32>} : memref<64x300xf32, #tpu.memory_space<vmem>>, vector<16xf32>,
        tpu.vector_store %arg7[%swap3A_203, %swap3A_204], %get3A_196 {strides = array<i32>} : memref<64x300xf32, #tpu.memory_space<vmem>>, vector<16xf32>,
        tpu.vector_store_idx %arg7[%add3A_190, %min3A], %get3A_199 masked %lt3A : memref<64x300xf32, #tpu.memory_space<vmem>>[vector<16xi32>, vector<16xi32>], vector<16xf32>, vector<16xi1>
        %mul3A_206 = arith.constant 8 : i32
        %mul3A_207 = arith.muli %scan3A_115, %mul3A_206 : i32
        %add3A_208 = arith.constant 4 : i32
        %add3A_209 = arith.addi %mul3A_207, %add3A_208 : i32
        %broadcast_in_dim3A_210 = arith.constant 0 : i32
        %broadcast_in_dim3A_211 = vector.broadcast %broadcast_in_dim3A_210 : i32 to vector<16xi32>
        %add3A_212 = vector.broadcast %add3A_209 : i32 to vector<16xi32>
        %add3A_213 = arith.addi %broadcast_in_dim3A_211, %add3A_212 : vector<16xi32>
        %get3A_214 = arith.index_cast %add3A_209 : i32 to index
        %get3A_215 = arith.constant 0 : index
        %get3A_216 = tpu.vector_load %arg9[%get3A_214, %get3A_215] {strides = array<i32>} : memref<64x128xf32, #tpu.memory_space<vmem>>, vector<16xf32>,
        %get3A_217 = arith.index_cast %add3A_209 : i32 to index
        %get3A_218 = arith.constant 16 : index
        %get3A_219 = tpu.vector_load %arg9[%get3A_217, %get3A_218] {strides = array<i32>} : memref<64x128xf32, #tpu.memory_space<vmem>>, vector<16xf32>,
        %get3A_220 = arith.index_cast %add3A_209 : i32 to index
        %get3A_221 = arith.constant 32 : index
        %get3A_222 = tpu.vector_load %arg9[%get3A_220, %get3A_221] {strides = array<i32>} : memref<64x128xf32, #tpu.memory_space<vmem>>, vector<16xf32>,
        %swap3A_223 = arith.index_cast %add3A_209 : i32 to index
        %swap3A_224 = arith.constant 256 : index
        %swap3A_225 = tpu.vector_load %arg7[%swap3A_223, %swap3A_224] {strides = array<i32>} : memref<64x300xf32, #tpu.memory_space<vmem>>, vector<16xf32>,
        tpu.vector_store %arg7[%swap3A_223, %swap3A_224], %get3A_216 {strides = array<i32>} : memref<64x300xf32, #tpu.memory_space<vmem>>, vector<16xf32>,
        %swap3A_226 = arith.index_cast %add3A_209 : i32 to index
        %swap3A_227 = arith.constant 272 : index
        %swap3A_228 = tpu.vector_load %arg7[%swap3A_226, %swap3A_227] {strides = array<i32>} : memref<64x300xf32, #tpu.memory_space<vmem>>, vector<16xf32>,
        tpu.vector_store %arg7[%swap3A_226, %swap3A_227], %get3A_219 {strides = array<i32>} : memref<64x300xf32, #tpu.memory_space<vmem>>, vector<16xf32>,
        tpu.vector_store_idx %arg7[%add3A_213, %min3A], %get3A_222 masked %lt3A : memref<64x300xf32, #tpu.memory_space<vmem>>[vector<16xi32>, vector<16xi32>], vector<16xf32>, vector<16xi1>
        %mul3A_229 = arith.constant 8 : i32
        %mul3A_230 = arith.muli %scan3A_115, %mul3A_229 : i32
        %add3A_231 = arith.constant 5 : i32
        %add3A_232 = arith.addi %mul3A_230, %add3A_231 : i32
        %broadcast_in_dim3A_233 = arith.constant 0 : i32
        %broadcast_in_dim3A_234 = vector.broadcast %broadcast_in_dim3A_233 : i32 to vector<16xi32>
        %add3A_235 = vector.broadcast %add3A_232 : i32 to vector<16xi32>
        %add3A_236 = arith.addi %broadcast_in_dim3A_234, %add3A_235 : vector<16xi32>
        %get3A_237 = arith.index_cast %add3A_232 : i32 to index
        %get3A_238 = arith.constant 0 : index
        %get3A_239 = tpu.vector_load %arg9[%get3A_237, %get3A_238] {strides = array<i32>} : memref<64x128xf32, #tpu.memory_space<vmem>>, vector<16xf32>,
        %get3A_240 = arith.index_cast %add3A_232 : i32 to index
        %get3A_241 = arith.constant 16 : index
        %get3A_242 = tpu.vector_load %arg9[%get3A_240, %get3A_241] {strides = array<i32>} : memref<64x128xf32, #tpu.memory_space<vmem>>, vector<16xf32>,
        %get3A_243 = arith.index_cast %add3A_232 : i32 to index
        %get3A_244 = arith.constant 32 : index
        %get3A_245 = tpu.vector_load %arg9[%get3A_243, %get3A_244] {strides = array<i32>} : memref<64x128xf32, #tpu.memory_space<vmem>>, vector<16xf32>,
        %swap3A_246 = arith.index_cast %add3A_232 : i32 to index
        %swap3A_247 = arith.constant 256 : index
        %swap3A_248 = tpu.vector_load %arg7[%swap3A_246, %swap3A_247] {strides = array<i32>} : memref<64x300xf32, #tpu.memory_space<vmem>>, vector<16xf32>,
        tpu.vector_store %arg7[%swap3A_246, %swap3A_247], %get3A_239 {strides = array<i32>} : memref<64x300xf32, #tpu.memory_space<vmem>>, vector<16xf32>,
        %swap3A_249 = arith.index_cast %add3A_232 : i32 to index
        %swap3A_250 = arith.constant 272 : index
        %swap3A_251 = tpu.vector_load %arg7[%swap3A_249, %swap3A_250] {strides = array<i32>} : memref<64x300xf32, #tpu.memory_space<vmem>>, vector<16xf32>,
        tpu.vector_store %arg7[%swap3A_249, %swap3A_250], %get3A_242 {strides = array<i32>} : memref<64x300xf32, #tpu.memory_space<vmem>>, vector<16xf32>,
        tpu.vector_store_idx %arg7[%add3A_236, %min3A], %get3A_245 masked %lt3A : memref<64x300xf32, #tpu.memory_space<vmem>>[vector<16xi32>, vector<16xi32>], vector<16xf32>, vector<16xi1>
        %mul3A_252 = arith.constant 8 : i32
        %mul3A_253 = arith.muli %scan3A_115, %mul3A_252 : i32
        %add3A_254 = arith.constant 6 : i32
        %add3A_255 = arith.addi %mul3A_253, %add3A_254 : i32
        %broadcast_in_dim3A_256 = arith.constant 0 : i32
        %broadcast_in_dim3A_257 = vector.broadcast %broadcast_in_dim3A_256 : i32 to vector<16xi32>
        %add3A_258 = vector.broadcast %add3A_255 : i32 to vector<16xi32>
        %add3A_259 = arith.addi %broadcast_in_dim3A_257, %add3A_258 : vector<16xi32>
        %get3A_260 = arith.index_cast %add3A_255 : i32 to index
        %get3A_261 = arith.constant 0 : index
        %get3A_262 = tpu.vector_load %arg9[%get3A_260, %get3A_261] {strides = array<i32>} : memref<64x128xf32, #tpu.memory_space<vmem>>, vector<16xf32>,
        %get3A_263 = arith.index_cast %add3A_255 : i32 to index
        %get3A_264 = arith.constant 16 : index
        %get3A_265 = tpu.vector_load %arg9[%get3A_263, %get3A_264] {strides = array<i32>} : memref<64x128xf32, #tpu.memory_space<vmem>>, vector<16xf32>,
        %get3A_266 = arith.index_cast %add3A_255 : i32 to index
        %get3A_267 = arith.constant 32 : index
        %get3A_268 = tpu.vector_load %arg9[%get3A_266, %get3A_267] {strides = array<i32>} : memref<64x128xf32, #tpu.memory_space<vmem>>, vector<16xf32>,
        %swap3A_269 = arith.index_cast %add3A_255 : i32 to index
        %swap3A_270 = arith.constant 256 : index
        %swap3A_271 = tpu.vector_load %arg7[%swap3A_269, %swap3A_270] {strides = array<i32>} : memref<64x300xf32, #tpu.memory_space<vmem>>, vector<16xf32>,
        tpu.vector_store %arg7[%swap3A_269, %swap3A_270], %get3A_262 {strides = array<i32>} : memref<64x300xf32, #tpu.memory_space<vmem>>, vector<16xf32>,
        %swap3A_272 = arith.index_cast %add3A_255 : i32 to index
        %swap3A_273 = arith.constant 272 : index
        %swap3A_274 = tpu.vector_load %arg7[%swap3A_272, %swap3A_273] {strides = array<i32>} : memref<64x300xf32, #tpu.memory_space<vmem>>, vector<16xf32>,
        tpu.vector_store %arg7[%swap3A_272, %swap3A_273], %get3A_265 {strides = array<i32>} : memref<64x300xf32, #tpu.memory_space<vmem>>, vector<16xf32>,
        tpu.vector_store_idx %arg7[%add3A_259, %min3A], %get3A_268 masked %lt3A : memref<64x300xf32, #tpu.memory_space<vmem>>[vector<16xi32>, vector<16xi32>], vector<16xf32>, vector<16xi1>
        %mul3A_275 = arith.constant 8 : i32
        %mul3A_276 = arith.muli %scan3A_115, %mul3A_275 : i32
        %add3A_277 = arith.constant 7 : i32
        %add3A_278 = arith.addi %mul3A_276, %add3A_277 : i32
        %broadcast_in_dim3A_279 = arith.constant 0 : i32
        %broadcast_in_dim3A_280 = vector.broadcast %broadcast_in_dim3A_279 : i32 to vector<16xi32>
        %add3A_281 = vector.broadcast %add3A_278 : i32 to vector<16xi32>
        %add3A_282 = arith.addi %broadcast_in_dim3A_280, %add3A_281 : vector<16xi32>
        %get3A_283 = arith.index_cast %add3A_278 : i32 to index
        %get3A_284 = arith.constant 0 : index
        %get3A_285 = tpu.vector_load %arg9[%get3A_283, %get3A_284] {strides = array<i32>} : memref<64x128xf32, #tpu.memory_space<vmem>>, vector<16xf32>,
        %get3A_286 = arith.index_cast %add3A_278 : i32 to index
        %get3A_287 = arith.constant 16 : index
        %get3A_288 = tpu.vector_load %arg9[%get3A_286, %get3A_287] {strides = array<i32>} : memref<64x128xf32, #tpu.memory_space<vmem>>, vector<16xf32>,
        %get3A_289 = arith.index_cast %add3A_278 : i32 to index
        %get3A_290 = arith.constant 32 : index
        %get3A_291 = tpu.vector_load %arg9[%get3A_289, %get3A_290] {strides = array<i32>} : memref<64x128xf32, #tpu.memory_space<vmem>>, vector<16xf32>,
        %swap3A_292 = arith.index_cast %add3A_278 : i32 to index
        %swap3A_293 = arith.constant 256 : index
        %swap3A_294 = tpu.vector_load %arg7[%swap3A_292, %swap3A_293] {strides = array<i32>} : memref<64x300xf32, #tpu.memory_space<vmem>>, vector<16xf32>,
        tpu.vector_store %arg7[%swap3A_292, %swap3A_293], %get3A_285 {strides = array<i32>} : memref<64x300xf32, #tpu.memory_space<vmem>>, vector<16xf32>,
        %swap3A_295 = arith.index_cast %add3A_278 : i32 to index
        %swap3A_296 = arith.constant 272 : index
        %swap3A_297 = tpu.vector_load %arg7[%swap3A_295, %swap3A_296] {strides = array<i32>} : memref<64x300xf32, #tpu.memory_space<vmem>>, vector<16xf32>,
        tpu.vector_store %arg7[%swap3A_295, %swap3A_296], %get3A_288 {strides = array<i32>} : memref<64x300xf32, #tpu.memory_space<vmem>>, vector<16xf32>,
        tpu.vector_store_idx %arg7[%add3A_282, %min3A], %get3A_291 masked %lt3A : memref<64x300xf32, #tpu.memory_space<vmem>>[vector<16xi32>, vector<16xi32>], vector<16xf32>, vector<16xi1>
      }
      %scan3A_76 = arith.constant 8 : i32
      %mul3A_77 = arith.constant 64 : i32
      %mul3A_78 = arith.muli %mul3A_53, %mul3A_77 : i32
      %add3A_79 = arith.addi %mul3A_2, %mul3A_78 : i32
      %dma_start3A_80 = arith.constant 0 : i32
      %dma_start3A_81 = tpu.memref_slice %arg5[%add3A_79, %dma_start3A_80] : memref<819200x300xf32, #tpu.memory_space<hbm>> -> memref<64x300xf32, #tpu.memory_space<hbm>>
      %dma_start3A_82 = arith.constant 0 : i32
      %dma_start3A_83 = tpu.memref_slice %arg5[%add3A_79, %dma_start3A_82] : memref<819200x300xf32, #tpu.memory_space<hbm>> -> memref<64x300xf32, #tpu.memory_space<hbm>>
      tpu.enqueue_dma source(%arg7 : memref<64x300xf32, #tpu.memory_space<vmem>>) target(%dma_start3A_83 : memref<64x300xf32, #tpu.memory_space<hbm>>) target_semaphore(%arg13 : memref<!tpu.dma_semaphore, #tpu.memory_space<semaphore_mem>>)
      %mul3A_84 = arith.constant 64 : i32
      %mul3A_85 = arith.muli %add3A_57, %mul3A_84 : i32
      %dma_wait3A_86 = arith.constant 0 : i32
      %dma_wait3A_87 = arith.constant 0 : i32
      %dma_wait3A_88 = tpu.memref_slice %arg8[%dma_wait3A_86, %dma_wait3A_87] : memref<64x300xf32, #tpu.memory_space<vmem>> -> memref<64x256xf32, #tpu.memory_space<vmem>>
      %dma_wait3A_89 = tpu.memref_slice %arg6[%mul3A_85] : memref<25600xi32, #tpu.memory_space<vmem>> -> memref<64xi32, #tpu.memory_space<vmem>>
      %dma_wait3A_90 = arith.constant 0 : i32
      %dma_wait3A_91 = arith.constant 0 : i32
      %dma_wait3A_92 = tpu.memref_slice %arg2[%dma_wait3A_90, %dma_wait3A_91] : memref<100000x300xf32, #tpu.memory_space<hbm>> -> memref<100000x256xf32, #tpu.memory_space<hbm>>
      tpu.wait_indirect_dma semaphore(%arg12 : memref<!tpu.dma_semaphore, #tpu.memory_space<semaphore_mem>>) src(%dma_wait3A_92 : memref<100000x256xf32, #tpu.memory_space<hbm>>) dst(%dma_wait3A_88 : memref<64x256xf32, #tpu.memory_space<vmem>>)
      %dma_wait3A_93 = tpu.memref_slice %arg6[%mul3A_85] : memref<25600xi32, #tpu.memory_space<vmem>> -> memref<64xi32, #tpu.memory_space<vmem>>
      %dma_wait3A_94 = arith.constant 0 : i32
      %dma_wait3A_95 = arith.constant 0 : i32
      %dma_wait3A_96 = tpu.memref_slice %arg3[%dma_wait3A_94, %dma_wait3A_95] : memref<100000x128xf32, #tpu.memory_space<hbm>> -> memref<100000x128xf32, #tpu.memory_space<hbm>>
      tpu.wait_indirect_dma semaphore(%arg12 : memref<!tpu.dma_semaphore, #tpu.memory_space<semaphore_mem>>) src(%dma_wait3A_96 : memref<100000x128xf32, #tpu.memory_space<hbm>>) dst(%arg10 : memref<64x128xf32, #tpu.memory_space<vmem>>)
      %scan3A_97 = arith.constant 0 : i32
      %scan3A_98 = arith.constant 0 : i32
      %scan3A_99 = arith.constant 8 : i32
      %scan3A_100 = arith.addi %scan3A_98, %scan3A_99 : i32
      %scan3A_101 = arith.constant 1 : i32
      scf.for %scan3A_115 = %scan3A_98 to %scan3A_100 step %scan3A_101  : i32 {
        %mul3A_116 = arith.constant 8 : i32
        %mul3A_117 = arith.muli %scan3A_115, %mul3A_116 : i32
        %add3A_118 = arith.constant 0 : i32
        %add3A_119 = arith.addi %mul3A_117, %add3A_118 : i32
        %broadcast_in_dim3A_120 = arith.constant 0 : i32
        %broadcast_in_dim3A_121 = vector.broadcast %broadcast_in_dim3A_120 : i32 to vector<16xi32>
        %add3A_122 = vector.broadcast %add3A_119 : i32 to vector<16xi32>
        %add3A_123 = arith.addi %broadcast_in_dim3A_121, %add3A_122 : vector<16xi32>
        %get3A = arith.index_cast %add3A_119 : i32 to index
        %get3A_124 = arith.constant 0 : index
        %get3A_125 = tpu.vector_load %arg10[%get3A, %get3A_124] {strides = array<i32>} : memref<64x128xf32, #tpu.memory_space<vmem>>, vector<16xf32>,
        %get3A_126 = arith.index_cast %add3A_119 : i32 to index
        %get3A_127 = arith.constant 16 : index
        %get3A_128 = tpu.vector_load %arg10[%get3A_126, %get3A_127] {strides = array<i32>} : memref<64x128xf32, #tpu.memory_space<vmem>>, vector<16xf32>,
        %get3A_129 = arith.index_cast %add3A_119 : i32 to index
        %get3A_130 = arith.constant 32 : index
        %get3A_131 = tpu.vector_load %arg10[%get3A_129, %get3A_130] {strides = array<i32>} : memref<64x128xf32, #tpu.memory_space<vmem>>, vector<16xf32>,
        %swap3A = arith.index_cast %add3A_119 : i32 to index
        %swap3A_132 = arith.constant 256 : index
        %swap3A_133 = tpu.vector_load %arg8[%swap3A, %swap3A_132] {strides = array<i32>} : memref<64x300xf32, #tpu.memory_space<vmem>>, vector<16xf32>,
        tpu.vector_store %arg8[%swap3A, %swap3A_132], %get3A_125 {strides = array<i32>} : memref<64x300xf32, #tpu.memory_space<vmem>>, vector<16xf32>,
        %swap3A_134 = arith.index_cast %add3A_119 : i32 to index
        %swap3A_135 = arith.constant 272 : index
        %swap3A_136 = tpu.vector_load %arg8[%swap3A_134, %swap3A_135] {strides = array<i32>} : memref<64x300xf32, #tpu.memory_space<vmem>>, vector<16xf32>,
        tpu.vector_store %arg8[%swap3A_134, %swap3A_135], %get3A_128 {strides = array<i32>} : memref<64x300xf32, #tpu.memory_space<vmem>>, vector<16xf32>,
        tpu.vector_store_idx %arg8[%add3A_123, %min3A], %get3A_131 masked %lt3A : memref<64x300xf32, #tpu.memory_space<vmem>>[vector<16xi32>, vector<16xi32>], vector<16xf32>, vector<16xi1>
        %mul3A_137 = arith.constant 8 : i32
        %mul3A_138 = arith.muli %scan3A_115, %mul3A_137 : i32
        %add3A_139 = arith.constant 1 : i32
        %add3A_140 = arith.addi %mul3A_138, %add3A_139 : i32
        %broadcast_in_dim3A_141 = arith.constant 0 : i32
        %broadcast_in_dim3A_142 = vector.broadcast %broadcast_in_dim3A_141 : i32 to vector<16xi32>
        %add3A_143 = vector.broadcast %add3A_140 : i32 to vector<16xi32>
        %add3A_144 = arith.addi %broadcast_in_dim3A_142, %add3A_143 : vector<16xi32>
        %get3A_145 = arith.index_cast %add3A_140 : i32 to index
        %get3A_146 = arith.constant 0 : index
        %get3A_147 = tpu.vector_load %arg10[%get3A_145, %get3A_146] {strides = array<i32>} : memref<64x128xf32, #tpu.memory_space<vmem>>, vector<16xf32>,
        %get3A_148 = arith.index_cast %add3A_140 : i32 to index
        %get3A_149 = arith.constant 16 : index
        %get3A_150 = tpu.vector_load %arg10[%get3A_148, %get3A_149] {strides = array<i32>} : memref<64x128xf32, #tpu.memory_space<vmem>>, vector<16xf32>,
        %get3A_151 = arith.index_cast %add3A_140 : i32 to index
        %get3A_152 = arith.constant 32 : index
        %get3A_153 = tpu.vector_load %arg10[%get3A_151, %get3A_152] {strides = array<i32>} : memref<64x128xf32, #tpu.memory_space<vmem>>, vector<16xf32>,
        %swap3A_154 = arith.index_cast %add3A_140 : i32 to index
        %swap3A_155 = arith.constant 256 : index
        %swap3A_156 = tpu.vector_load %arg8[%swap3A_154, %swap3A_155] {strides = array<i32>} : memref<64x300xf32, #tpu.memory_space<vmem>>, vector<16xf32>,
        tpu.vector_store %arg8[%swap3A_154, %swap3A_155], %get3A_147 {strides = array<i32>} : memref<64x300xf32, #tpu.memory_space<vmem>>, vector<16xf32>,
        %swap3A_157 = arith.index_cast %add3A_140 : i32 to index
        %swap3A_158 = arith.constant 272 : index
        %swap3A_159 = tpu.vector_load %arg8[%swap3A_157, %swap3A_158] {strides = array<i32>} : memref<64x300xf32, #tpu.memory_space<vmem>>, vector<16xf32>,
        tpu.vector_store %arg8[%swap3A_157, %swap3A_158], %get3A_150 {strides = array<i32>} : memref<64x300xf32, #tpu.memory_space<vmem>>, vector<16xf32>,
        tpu.vector_store_idx %arg8[%add3A_144, %min3A], %get3A_153 masked %lt3A : memref<64x300xf32, #tpu.memory_space<vmem>>[vector<16xi32>, vector<16xi32>], vector<16xf32>, vector<16xi1>
        %mul3A_160 = arith.constant 8 : i32
        %mul3A_161 = arith.muli %scan3A_115, %mul3A_160 : i32
        %add3A_162 = arith.constant 2 : i32
        %add3A_163 = arith.addi %mul3A_161, %add3A_162 : i32
        %broadcast_in_dim3A_164 = arith.constant 0 : i32
        %broadcast_in_dim3A_165 = vector.broadcast %broadcast_in_dim3A_164 : i32 to vector<16xi32>
        %add3A_166 = vector.broadcast %add3A_163 : i32 to vector<16xi32>
        %add3A_167 = arith.addi %broadcast_in_dim3A_165, %add3A_166 : vector<16xi32>
        %get3A_168 = arith.index_cast %add3A_163 : i32 to index
        %get3A_169 = arith.constant 0 : index
        %get3A_170 = tpu.vector_load %arg10[%get3A_168, %get3A_169] {strides = array<i32>} : memref<64x128xf32, #tpu.memory_space<vmem>>, vector<16xf32>,
        %get3A_171 = arith.index_cast %add3A_163 : i32 to index
        %get3A_172 = arith.constant 16 : index
        %get3A_173 = tpu.vector_load %arg10[%get3A_171, %get3A_172] {strides = array<i32>} : memref<64x128xf32, #tpu.memory_space<vmem>>, vector<16xf32>,
        %get3A_174 = arith.index_cast %add3A_163 : i32 to index
        %get3A_175 = arith.constant 32 : index
        %get3A_176 = tpu.vector_load %arg10[%get3A_174, %get3A_175] {strides = array<i32>} : memref<64x128xf32, #tpu.memory_space<vmem>>, vector<16xf32>,
        %swap3A_177 = arith.index_cast %add3A_163 : i32 to index
        %swap3A_178 = arith.constant 256 : index
        %swap3A_179 = tpu.vector_load %arg8[%swap3A_177, %swap3A_178] {strides = array<i32>} : memref<64x300xf32, #tpu.memory_space<vmem>>, vector<16xf32>,
        tpu.vector_store %arg8[%swap3A_177, %swap3A_178], %get3A_170 {strides = array<i32>} : memref<64x300xf32, #tpu.memory_space<vmem>>, vector<16xf32>,
        %swap3A_180 = arith.index_cast %add3A_163 : i32 to index
        %swap3A_181 = arith.constant 272 : index
        %swap3A_182 = tpu.vector_load %arg8[%swap3A_180, %swap3A_181] {strides = array<i32>} : memref<64x300xf32, #tpu.memory_space<vmem>>, vector<16xf32>,
        tpu.vector_store %arg8[%swap3A_180, %swap3A_181], %get3A_173 {strides = array<i32>} : memref<64x300xf32, #tpu.memory_space<vmem>>, vector<16xf32>,
        tpu.vector_store_idx %arg8[%add3A_167, %min3A], %get3A_176 masked %lt3A : memref<64x300xf32, #tpu.memory_space<vmem>>[vector<16xi32>, vector<16xi32>], vector<16xf32>, vector<16xi1>
        %mul3A_183 = arith.constant 8 : i32
        %mul3A_184 = arith.muli %scan3A_115, %mul3A_183 : i32
        %add3A_185 = arith.constant 3 : i32
        %add3A_186 = arith.addi %mul3A_184, %add3A_185 : i32
        %broadcast_in_dim3A_187 = arith.constant 0 : i32
        %broadcast_in_dim3A_188 = vector.broadcast %broadcast_in_dim3A_187 : i32 to vector<16xi32>
        %add3A_189 = vector.broadcast %add3A_186 : i32 to vector<16xi32>
        %add3A_190 = arith.addi %broadcast_in_dim3A_188, %add3A_189 : vector<16xi32>
        %get3A_191 = arith.index_cast %add3A_186 : i32 to index
        %get3A_192 = arith.constant 0 : index
        %get3A_193 = tpu.vector_load %arg10[%get3A_191, %get3A_192] {strides = array<i32>} : memref<64x128xf32, #tpu.memory_space<vmem>>, vector<16xf32>,
        %get3A_194 = arith.index_cast %add3A_186 : i32 to index
        %get3A_195 = arith.constant 16 : index
        %get3A_196 = tpu.vector_load %arg10[%get3A_194, %get3A_195] {strides = array<i32>} : memref<64x128xf32, #tpu.memory_space<vmem>>, vector<16xf32>,
        %get3A_197 = arith.index_cast %add3A_186 : i32 to index
        %get3A_198 = arith.constant 32 : index
        %get3A_199 = tpu.vector_load %arg10[%get3A_197, %get3A_198] {strides = array<i32>} : memref<64x128xf32, #tpu.memory_space<vmem>>, vector<16xf32>,
        %swap3A_200 = arith.index_cast %add3A_186 : i32 to index
        %swap3A_201 = arith.constant 256 : index
        %swap3A_202 = tpu.vector_load %arg8[%swap3A_200, %swap3A_201] {strides = array<i32>} : memref<64x300xf32, #tpu.memory_space<vmem>>, vector<16xf32>,
        tpu.vector_store %arg8[%swap3A_200, %swap3A_201], %get3A_193 {strides = array<i32>} : memref<64x300xf32, #tpu.memory_space<vmem>>, vector<16xf32>,
        %swap3A_203 = arith.index_cast %add3A_186 : i32 to index
        %swap3A_204 = arith.constant 272 : index
        %swap3A_205 = tpu.vector_load %arg8[%swap3A_203, %swap3A_204] {strides = array<i32>} : memref<64x300xf32, #tpu.memory_space<vmem>>, vector<16xf32>,
        tpu.vector_store %arg8[%swap3A_203, %swap3A_204], %get3A_196 {strides = array<i32>} : memref<64x300xf32, #tpu.memory_space<vmem>>, vector<16xf32>,
        tpu.vector_store_idx %arg8[%add3A_190, %min3A], %get3A_199 masked %lt3A : memref<64x300xf32, #tpu.memory_space<vmem>>[vector<16xi32>, vector<16xi32>], vector<16xf32>, vector<16xi1>
        %mul3A_206 = arith.constant 8 : i32
        %mul3A_207 = arith.muli %scan3A_115, %mul3A_206 : i32
        %add3A_208 = arith.constant 4 : i32
        %add3A_209 = arith.addi %mul3A_207, %add3A_208 : i32
        %broadcast_in_dim3A_210 = arith.constant 0 : i32
        %broadcast_in_dim3A_211 = vector.broadcast %broadcast_in_dim3A_210 : i32 to vector<16xi32>
        %add3A_212 = vector.broadcast %add3A_209 : i32 to vector<16xi32>
        %add3A_213 = arith.addi %broadcast_in_dim3A_211, %add3A_212 : vector<16xi32>
        %get3A_214 = arith.index_cast %add3A_209 : i32 to index
        %get3A_215 = arith.constant 0 : index
        %get3A_216 = tpu.vector_load %arg10[%get3A_214, %get3A_215] {strides = array<i32>} : memref<64x128xf32, #tpu.memory_space<vmem>>, vector<16xf32>,
        %get3A_217 = arith.index_cast %add3A_209 : i32 to index
        %get3A_218 = arith.constant 16 : index
        %get3A_219 = tpu.vector_load %arg10[%get3A_217, %get3A_218] {strides = array<i32>} : memref<64x128xf32, #tpu.memory_space<vmem>>, vector<16xf32>,
        %get3A_220 = arith.index_cast %add3A_209 : i32 to index
        %get3A_221 = arith.constant 32 : index
        %get3A_222 = tpu.vector_load %arg10[%get3A_220, %get3A_221] {strides = array<i32>} : memref<64x128xf32, #tpu.memory_space<vmem>>, vector<16xf32>,
        %swap3A_223 = arith.index_cast %add3A_209 : i32 to index
        %swap3A_224 = arith.constant 256 : index
        %swap3A_225 = tpu.vector_load %arg8[%swap3A_223, %swap3A_224] {strides = array<i32>} : memref<64x300xf32, #tpu.memory_space<vmem>>, vector<16xf32>,
        tpu.vector_store %arg8[%swap3A_223, %swap3A_224], %get3A_216 {strides = array<i32>} : memref<64x300xf32, #tpu.memory_space<vmem>>, vector<16xf32>,
        %swap3A_226 = arith.index_cast %add3A_209 : i32 to index
        %swap3A_227 = arith.constant 272 : index
        %swap3A_228 = tpu.vector_load %arg8[%swap3A_226, %swap3A_227] {strides = array<i32>} : memref<64x300xf32, #tpu.memory_space<vmem>>, vector<16xf32>,
        tpu.vector_store %arg8[%swap3A_226, %swap3A_227], %get3A_219 {strides = array<i32>} : memref<64x300xf32, #tpu.memory_space<vmem>>, vector<16xf32>,
        tpu.vector_store_idx %arg8[%add3A_213, %min3A], %get3A_222 masked %lt3A : memref<64x300xf32, #tpu.memory_space<vmem>>[vector<16xi32>, vector<16xi32>], vector<16xf32>, vector<16xi1>
        %mul3A_229 = arith.constant 8 : i32
        %mul3A_230 = arith.muli %scan3A_115, %mul3A_229 : i32
        %add3A_231 = arith.constant 5 : i32
        %add3A_232 = arith.addi %mul3A_230, %add3A_231 : i32
        %broadcast_in_dim3A_233 = arith.constant 0 : i32
        %broadcast_in_dim3A_234 = vector.broadcast %broadcast_in_dim3A_233 : i32 to vector<16xi32>
        %add3A_235 = vector.broadcast %add3A_232 : i32 to vector<16xi32>
        %add3A_236 = arith.addi %broadcast_in_dim3A_234, %add3A_235 : vector<16xi32>
        %get3A_237 = arith.index_cast %add3A_232 : i32 to index
        %get3A_238 = arith.constant 0 : index
        %get3A_239 = tpu.vector_load %arg10[%get3A_237, %get3A_238] {strides = array<i32>} : memref<64x128xf32, #tpu.memory_space<vmem>>, vector<16xf32>,
        %get3A_240 = arith.index_cast %add3A_232 : i32 to index
        %get3A_241 = arith.constant 16 : index
        %get3A_242 = tpu.vector_load %arg10[%get3A_240, %get3A_241] {strides = array<i32>} : memref<64x128xf32, #tpu.memory_space<vmem>>, vector<16xf32>,
        %get3A_243 = arith.index_cast %add3A_232 : i32 to index
        %get3A_244 = arith.constant 32 : index
        %get3A_245 = tpu.vector_load %arg10[%get3A_243, %get3A_244] {strides = array<i32>} : memref<64x128xf32, #tpu.memory_space<vmem>>, vector<16xf32>,
        %swap3A_246 = arith.index_cast %add3A_232 : i32 to index
        %swap3A_247 = arith.constant 256 : index
        %swap3A_248 = tpu.vector_load %arg8[%swap3A_246, %swap3A_247] {strides = array<i32>} : memref<64x300xf32, #tpu.memory_space<vmem>>, vector<16xf32>,
        tpu.vector_store %arg8[%swap3A_246, %swap3A_247], %get3A_239 {strides = array<i32>} : memref<64x300xf32, #tpu.memory_space<vmem>>, vector<16xf32>,
        %swap3A_249 = arith.index_cast %add3A_232 : i32 to index
        %swap3A_250 = arith.constant 272 : index
        %swap3A_251 = tpu.vector_load %arg8[%swap3A_249, %swap3A_250] {strides = array<i32>} : memref<64x300xf32, #tpu.memory_space<vmem>>, vector<16xf32>,
        tpu.vector_store %arg8[%swap3A_249, %swap3A_250], %get3A_242 {strides = array<i32>} : memref<64x300xf32, #tpu.memory_space<vmem>>, vector<16xf32>,
        tpu.vector_store_idx %arg8[%add3A_236, %min3A], %get3A_245 masked %lt3A : memref<64x300xf32, #tpu.memory_space<vmem>>[vector<16xi32>, vector<16xi32>], vector<16xf32>, vector<16xi1>
        %mul3A_252 = arith.constant 8 : i32
        %mul3A_253 = arith.muli %scan3A_115, %mul3A_252 : i32
        %add3A_254 = arith.constant 6 : i32
        %add3A_255 = arith.addi %mul3A_253, %add3A_254 : i32
        %broadcast_in_dim3A_256 = arith.constant 0 : i32
        %broadcast_in_dim3A_257 = vector.broadcast %broadcast_in_dim3A_256 : i32 to vector<16xi32>
        %add3A_258 = vector.broadcast %add3A_255 : i32 to vector<16xi32>
        %add3A_259 = arith.addi %broadcast_in_dim3A_257, %add3A_258 : vector<16xi32>
        %get3A_260 = arith.index_cast %add3A_255 : i32 to index
        %get3A_261 = arith.constant 0 : index
        %get3A_262 = tpu.vector_load %arg10[%get3A_260, %get3A_261] {strides = array<i32>} : memref<64x128xf32, #tpu.memory_space<vmem>>, vector<16xf32>,
        %get3A_263 = arith.index_cast %add3A_255 : i32 to index
        %get3A_264 = arith.constant 16 : index
        %get3A_265 = tpu.vector_load %arg10[%get3A_263, %get3A_264] {strides = array<i32>} : memref<64x128xf32, #tpu.memory_space<vmem>>, vector<16xf32>,
        %get3A_266 = arith.index_cast %add3A_255 : i32 to index
        %get3A_267 = arith.constant 32 : index
        %get3A_268 = tpu.vector_load %arg10[%get3A_266, %get3A_267] {strides = array<i32>} : memref<64x128xf32, #tpu.memory_space<vmem>>, vector<16xf32>,
        %swap3A_269 = arith.index_cast %add3A_255 : i32 to index
        %swap3A_270 = arith.constant 256 : index
        %swap3A_271 = tpu.vector_load %arg8[%swap3A_269, %swap3A_270] {strides = array<i32>} : memref<64x300xf32, #tpu.memory_space<vmem>>, vector<16xf32>,
        tpu.vector_store %arg8[%swap3A_269, %swap3A_270], %get3A_262 {strides = array<i32>} : memref<64x300xf32, #tpu.memory_space<vmem>>, vector<16xf32>,
        %swap3A_272 = arith.index_cast %add3A_255 : i32 to index
        %swap3A_273 = arith.constant 272 : index
        %swap3A_274 = tpu.vector_load %arg8[%swap3A_272, %swap3A_273] {strides = array<i32>} : memref<64x300xf32, #tpu.memory_space<vmem>>, vector<16xf32>,
        tpu.vector_store %arg8[%swap3A_272, %swap3A_273], %get3A_265 {strides = array<i32>} : memref<64x300xf32, #tpu.memory_space<vmem>>, vector<16xf32>,
        tpu.vector_store_idx %arg8[%add3A_259, %min3A], %get3A_268 masked %lt3A : memref<64x300xf32, #tpu.memory_space<vmem>>[vector<16xi32>, vector<16xi32>], vector<16xf32>, vector<16xi1>
        %mul3A_275 = arith.constant 8 : i32
        %mul3A_276 = arith.muli %scan3A_115, %mul3A_275 : i32
        %add3A_277 = arith.constant 7 : i32
        %add3A_278 = arith.addi %mul3A_276, %add3A_277 : i32
        %broadcast_in_dim3A_279 = arith.constant 0 : i32
        %broadcast_in_dim3A_280 = vector.broadcast %broadcast_in_dim3A_279 : i32 to vector<16xi32>
        %add3A_281 = vector.broadcast %add3A_278 : i32 to vector<16xi32>
        %add3A_282 = arith.addi %broadcast_in_dim3A_280, %add3A_281 : vector<16xi32>
        %get3A_283 = arith.index_cast %add3A_278 : i32 to index
        %get3A_284 = arith.constant 0 : index
        %get3A_285 = tpu.vector_load %arg10[%get3A_283, %get3A_284] {strides = array<i32>} : memref<64x128xf32, #tpu.memory_space<vmem>>, vector<16xf32>,
        %get3A_286 = arith.index_cast %add3A_278 : i32 to index
        %get3A_287 = arith.constant 16 : index
        %get3A_288 = tpu.vector_load %arg10[%get3A_286, %get3A_287] {strides = array<i32>} : memref<64x128xf32, #tpu.memory_space<vmem>>, vector<16xf32>,
        %get3A_289 = arith.index_cast %add3A_278 : i32 to index
        %get3A_290 = arith.constant 32 : index
        %get3A_291 = tpu.vector_load %arg10[%get3A_289, %get3A_290] {strides = array<i32>} : memref<64x128xf32, #tpu.memory_space<vmem>>, vector<16xf32>,
        %swap3A_292 = arith.index_cast %add3A_278 : i32 to index
        %swap3A_293 = arith.constant 256 : index
        %swap3A_294 = tpu.vector_load %arg8[%swap3A_292, %swap3A_293] {strides = array<i32>} : memref<64x300xf32, #tpu.memory_space<vmem>>, vector<16xf32>,
        tpu.vector_store %arg8[%swap3A_292, %swap3A_293], %get3A_285 {strides = array<i32>} : memref<64x300xf32, #tpu.memory_space<vmem>>, vector<16xf32>,
        %swap3A_295 = arith.index_cast %add3A_278 : i32 to index
        %swap3A_296 = arith.constant 272 : index
        %swap3A_297 = tpu.vector_load %arg8[%swap3A_295, %swap3A_296] {strides = array<i32>} : memref<64x300xf32, #tpu.memory_space<vmem>>, vector<16xf32>,
        tpu.vector_store %arg8[%swap3A_295, %swap3A_296], %get3A_288 {strides = array<i32>} : memref<64x300xf32, #tpu.memory_space<vmem>>, vector<16xf32>,
        tpu.vector_store_idx %arg8[%add3A_282, %min3A], %get3A_291 masked %lt3A : memref<64x300xf32, #tpu.memory_space<vmem>>[vector<16xi32>, vector<16xi32>], vector<16xf32>, vector<16xi1>
      }
      %scan3A_102 = arith.constant 8 : i32
      %mul3A_103 = arith.constant 64 : i32
      %mul3A_104 = arith.muli %add3A_57, %mul3A_103 : i32
      %add3A_105 = arith.addi %mul3A_2, %mul3A_104 : i32
      %dma_start3A_106 = arith.constant 0 : i32
      %dma_start3A_107 = tpu.memref_slice %arg5[%add3A_105, %dma_start3A_106] : memref<819200x300xf32, #tpu.memory_space<hbm>> -> memref<64x300xf32, #tpu.memory_space<hbm>>
      %dma_start3A_108 = arith.constant 0 : i32
      %dma_start3A_109 = tpu.memref_slice %arg5[%add3A_105, %dma_start3A_108] : memref<819200x300xf32, #tpu.memory_space<hbm>> -> memref<64x300xf32, #tpu.memory_space<hbm>>
      tpu.enqueue_dma source(%arg8 : memref<64x300xf32, #tpu.memory_space<vmem>>) target(%dma_start3A_109 : memref<64x300xf32, #tpu.memory_space<hbm>>) target_semaphore(%arg14 : memref<!tpu.dma_semaphore, #tpu.memory_space<semaphore_mem>>)
      %add3A_110 = arith.constant 1 : i32
      %add3A_111 = arith.addi %scan3A_51, %add3A_110 : i32
      %lt3A_112 = arith.constant 200 : i32
      %lt3A_113 = arith.cmpi slt, %add3A_111, %lt3A_112 : i32
      %convert_element_type3A = arith.extui %lt3A_113 : i1 to i32
      %cond3A = arith.constant 0 : i32
      %cond3A_114 = arith.cmpi ne, %convert_element_type3A, %cond3A : i32
      scf.if %cond3A_114 {
        %mul3A_115 = arith.constant 64 : i32
        %mul3A_116 = arith.muli %mul3A_53, %mul3A_115 : i32
        %add3A_117 = arith.addi %mul3A_2, %mul3A_116 : i32
        %dma_wait3A_118 = arith.constant 0 : i32
        %dma_wait3A_119 = tpu.memref_slice %arg5[%add3A_117, %dma_wait3A_118] : memref<819200x300xf32, #tpu.memory_space<hbm>> -> memref<64x300xf32, #tpu.memory_space<hbm>>
        %dma_wait3A_120 = arith.constant 0 : i32
        %dma_wait3A_121 = tpu.memref_slice %arg5[%add3A_117, %dma_wait3A_120] : memref<819200x300xf32, #tpu.memory_space<hbm>> -> memref<64x300xf32, #tpu.memory_space<hbm>>
        tpu.wait_dma2 semaphore(%arg13 : memref<!tpu.dma_semaphore, #tpu.memory_space<semaphore_mem>>) src(%arg7 : memref<64x300xf32, #tpu.memory_space<vmem>>) dst(%dma_wait3A_121 : memref<64x300xf32, #tpu.memory_space<hbm>>)
        %add3A_122 = arith.constant 2 : i32
        %add3A_123 = arith.addi %mul3A_53, %add3A_122 : i32
        %mul3A_124 = arith.constant 64 : i32
        %mul3A_125 = arith.muli %add3A_123, %mul3A_124 : i32
        %dma_start3A_126 = arith.constant 0 : i32
        %dma_start3A_127 = arith.constant 0 : i32
        %dma_start3A_128 = tpu.memref_slice %arg7[%dma_start3A_126, %dma_start3A_127] : memref<64x300xf32, #tpu.memory_space<vmem>> -> memref<64x256xf32, #tpu.memory_space<vmem>>
        %dma_start3A_129 = tpu.memref_slice %arg6[%mul3A_125] : memref<25600xi32, #tpu.memory_space<vmem>> -> memref<64xi32, #tpu.memory_space<vmem>>
        %dma_start3A_130 = arith.constant 0 : i32
        %dma_start3A_131 = arith.constant 0 : i32
        %dma_start3A_132 = tpu.memref_slice %arg2[%dma_start3A_130, %dma_start3A_131] : memref<100000x300xf32, #tpu.memory_space<hbm>> -> memref<100000x256xf32, #tpu.memory_space<hbm>>
        tpu.enqueue_indirect_dma source(%dma_start3A_132 : memref<100000x256xf32, #tpu.memory_space<hbm>>) target(%dma_start3A_128 : memref<64x256xf32, #tpu.memory_space<vmem>>) offsets(%dma_start3A_129 : memref<64xi32, #tpu.memory_space<vmem>>) semaphore(%arg11 : memref<!tpu.dma_semaphore, #tpu.memory_space<semaphore_mem>>)
        %dma_start3A_133 = tpu.memref_slice %arg6[%mul3A_125] : memref<25600xi32, #tpu.memory_space<vmem>> -> memref<64xi32, #tpu.memory_space<vmem>>
        %dma_start3A_134 = arith.constant 0 : i32
        %dma_start3A_135 = arith.constant 0 : i32
        %dma_start3A_136 = tpu.memref_slice %arg3[%dma_start3A_134, %dma_start3A_135] : memref<100000x128xf32, #tpu.memory_space<hbm>> -> memref<100000x128xf32, #tpu.memory_space<hbm>>
        tpu.enqueue_indirect_dma source(%dma_start3A_136 : memref<100000x128xf32, #tpu.memory_space<hbm>>) target(%arg9 : memref<64x128xf32, #tpu.memory_space<vmem>>) offsets(%dma_start3A_133 : memref<64xi32, #tpu.memory_space<vmem>>) semaphore(%arg11 : memref<!tpu.dma_semaphore, #tpu.memory_space<semaphore_mem>>)
        %mul3A_137 = arith.constant 64 : i32
        %mul3A_138 = arith.muli %add3A_57, %mul3A_137 : i32
        %add3A_139 = arith.addi %mul3A_2, %mul3A_138 : i32
        %dma_wait3A_140 = arith.constant 0 : i32
        %dma_wait3A_141 = tpu.memref_slice %arg5[%add3A_139, %dma_wait3A_140] : memref<819200x300xf32, #tpu.memory_space<hbm>> -> memref<64x300xf32, #tpu.memory_space<hbm>>
        %dma_wait3A_142 = arith.constant 0 : i32
        %dma_wait3A_143 = tpu.memref_slice %arg5[%add3A_139, %dma_wait3A_142] : memref<819200x300xf32, #tpu.memory_space<hbm>> -> memref<64x300xf32, #tpu.memory_space<hbm>>
        tpu.wait_dma2 semaphore(%arg14 : memref<!tpu.dma_semaphore, #tpu.memory_space<semaphore_mem>>) src(%arg8 : memref<64x300xf32, #tpu.memory_space<vmem>>) dst(%dma_wait3A_143 : memref<64x300xf32, #tpu.memory_space<hbm>>)
        %add3A_144 = arith.constant 2 : i32
        %add3A_145 = arith.addi %add3A_57, %add3A_144 : i32
        %mul3A_146 = arith.constant 64 : i32
        %mul3A_147 = arith.muli %add3A_145, %mul3A_146 : i32
        %dma_start3A_148 = arith.constant 0 : i32
        %dma_start3A_149 = arith.constant 0 : i32
        %dma_start3A_150 = tpu.memref_slice %arg8[%dma_start3A_148, %dma_start3A_149] : memref<64x300xf32, #tpu.memory_space<vmem>> -> memref<64x256xf32, #tpu.memory_space<vmem>>
        %dma_start3A_151 = tpu.memref_slice %arg6[%mul3A_147] : memref<25600xi32, #tpu.memory_space<vmem>> -> memref<64xi32, #tpu.memory_space<vmem>>
        %dma_start3A_152 = arith.constant 0 : i32
        %dma_start3A_153 = arith.constant 0 : i32
        %dma_start3A_154 = tpu.memref_slice %arg2[%dma_start3A_152, %dma_start3A_153] : memref<100000x300xf32, #tpu.memory_space<hbm>> -> memref<100000x256xf32, #tpu.memory_space<hbm>>
        tpu.enqueue_indirect_dma source(%dma_start3A_154 : memref<100000x256xf32, #tpu.memory_space<hbm>>) target(%dma_start3A_150 : memref<64x256xf32, #tpu.memory_space<vmem>>) offsets(%dma_start3A_151 : memref<64xi32, #tpu.memory_space<vmem>>) semaphore(%arg12 : memref<!tpu.dma_semaphore, #tpu.memory_space<semaphore_mem>>)
        %dma_start3A_155 = tpu.memref_slice %arg6[%mul3A_147] : memref<25600xi32, #tpu.memory_space<vmem>> -> memref<64xi32, #tpu.memory_space<vmem>>
        %dma_start3A_156 = arith.constant 0 : i32
        %dma_start3A_157 = arith.constant 0 : i32
        %dma_start3A_158 = tpu.memref_slice %arg3[%dma_start3A_156, %dma_start3A_157] : memref<100000x128xf32, #tpu.memory_space<hbm>> -> memref<100000x128xf32, #tpu.memory_space<hbm>>
        tpu.enqueue_indirect_dma source(%dma_start3A_158 : memref<100000x128xf32, #tpu.memory_space<hbm>>) target(%arg10 : memref<64x128xf32, #tpu.memory_space<vmem>>) offsets(%dma_start3A_155 : memref<64xi32, #tpu.memory_space<vmem>>) semaphore(%arg12 : memref<!tpu.dma_semaphore, #tpu.memory_space<semaphore_mem>>)
      } else {
      }
    }
    %scan3A_39 = arith.constant 200 : i32
    %add3A_40 = arith.constant 25472 : i32
    %add3A_41 = arith.addi %mul3A_2, %add3A_40 : i32
    %dma_wait3A = arith.constant 0 : i32
    %dma_wait3A_42 = tpu.memref_slice %arg5[%add3A_41, %dma_wait3A] : memref<819200x300xf32, #tpu.memory_space<hbm>> -> memref<64x300xf32, #tpu.memory_space<hbm>>
    %dma_wait3A_43 = arith.constant 0 : i32
    %dma_wait3A_44 = tpu.memref_slice %arg5[%add3A_41, %dma_wait3A_43] : memref<819200x300xf32, #tpu.memory_space<hbm>> -> memref<64x300xf32, #tpu.memory_space<hbm>>
    tpu.wait_dma2 semaphore(%arg13 : memref<!tpu.dma_semaphore, #tpu.memory_space<semaphore_mem>>) src(%arg7 : memref<64x300xf32, #tpu.memory_space<vmem>>) dst(%dma_wait3A_44 : memref<64x300xf32, #tpu.memory_space<hbm>>)
    %add3A_45 = arith.constant 25536 : i32
    %add3A_46 = arith.addi %mul3A_2, %add3A_45 : i32
    %dma_wait3A_47 = arith.constant 0 : i32
    %dma_wait3A_48 = tpu.memref_slice %arg5[%add3A_46, %dma_wait3A_47] : memref<819200x300xf32, #tpu.memory_space<hbm>> -> memref<64x300xf32, #tpu.memory_space<hbm>>
    %dma_wait3A_49 = arith.constant 0 : i32
    %dma_wait3A_50 = tpu.memref_slice %arg5[%add3A_46, %dma_wait3A_49] : memref<819200x300xf32, #tpu.memory_space<hbm>> -> memref<64x300xf32, #tpu.memory_space<hbm>>
    tpu.wait_dma2 semaphore(%arg14 : memref<!tpu.dma_semaphore, #tpu.memory_space<semaphore_mem>>) src(%arg8 : memref<64x300xf32, #tpu.memory_space<vmem>>) dst(%dma_wait3A_50 : memref<64x300xf32, #tpu.memory_space<hbm>>)
    return
  }
}

</mosaic_0001>

<sc_bundles>
// kernel: kernel.3.cloned.1.call-start
scs
__scs_entry_jumppad:
0x0: {  	(pc) =	sbr.rel $0x88, $3  }
0x1: {  	(tag) =	ssettag $0x0;
	lr =	simm.s32 $0x1  }
0x2: {  	[smem:$0x3F9F] =	sst lr;
	_ =	strace $0xD0000000  }
0x3: {  	_ = 	snop  }
0x4: {  	_ = 	snop  }
0x5: {  	_ = 	snop  }
0x6: {  	_ = 	snop  }
0x7: {  	_ = 	snop  }
__scs_overlays_trampoline_lowered:
0x8: {  	[smem:$0x3FAE] =	sst s0  }
0x9: {  	[smem:$0x3FAF] =	sst s1  }
0xa: {  	[smem:$0x3FB0] =	sst s2  }
0xb: {  	[smem:$0x3FB1] =	sst s3  }
0xc: {  	[smem:$0x3FB2] =	sst s4  }
0xd: {  	[smem:$0x3FB3] =	sst s5  }
0xe: {  	[smem:$0x3FB4] =	sst s6  }
0xf: {  	[smem:$0x3FB5] =	sst s7  }
0x10: {  	[smem:$0x3FB6] =	sst s8  }
0x11: {  	[smem:$0x3FB7] =	sst s9;
	s0 =	simm.s32 @!p0 $0x0  }
0x12: {  	s1 =	sld [smem:$0x3F9D];
	s0 =	simm.s32 @p0 $0x1  }
0x13: {  	[smem:$0x3FB8] =	sst s0;
	s0 =	simm.s32 @!p1 $0x0  }
0x14: {  	s2 =	sld [smem:$0x3F9C];
	s0 =	simm.s32 @p1 $0x1  }
0x15: {  	[smem:$0x3FB9] =	sst s0;
	s0 =	simm.s32 @!p2 $0x0  }
0x16: {  	s3 =	sld [smem:$0x3FDB];
	s0 =	simm.s32 @p2 $0x1  }
0x17: {  	s4 =	simm.s32 $0x1BF5;
	[smem:$0x3FBB] =	sst s0  }
0x18: {  	s0 =	sld [smem:$0x3F9E];
	_ =	swait.ge [sflag:s4], $0x0  }
0x19: {  	s7 =	sld [smem:$0x3F9F]  }
0x1a: {  	s8 =	sadd.s32 $0xFFFFE003, lr  }
0x1b: {  	s9 =	sadd.s32 $0xFFFFFEF7, lr;
	s5 =	simm.s32 $0xFFFFFFFF;
	p2 =	slt.u32 s8, $0xFFFFF086  }
0x1c: {  	p1 =	slt.u32 s9, $0xF7A;
	s5 =	simm.s32 @!p2 $0x0  }
0x1d: {  	s5 =	simm.s32 @p1 $0x1;
	p0 =	seq.s32 s7, s2  }
0x1e: {  	s7 =	smul.u32 @!p0 $0xF7A, s2;
	p2 =	seq.s32 @!p0 s5, $0x0  }
0x1f: {  	s9 =	smul.u32 $0xF7A, s1;
	s8 =	simm.s32 @!p0 $0x1BF5;
	p2 =	por !p2, p0  }
0x20: {  	[sflag:s8] =	ssyncset.s32 @!p0 $0xFFFFF086;
	s6 =	sadd.s32 @!p0 s3, s7;
	s7 =	simm.s32 @!p0 $0x108  }
0x21: {  	s3 =	sadd.s32 s3, s9;
	s6 =	sadd.s32 @!p0 $0x88, s6;
	s7 =	simm.s32 @p2 $0x1082  }
0x22: {  	[simem:s7], [sflag:s8] =	dma.local @!p0 [hbm:s6], $0xF7A  }
0x23: {  	s9 =	sor.u32 $0xD0000000, s2;
	s6 =	simm.s32 $0x108;
	_ =	swait.ge @!p0 [sflag:s8], $0x0  }
0x24: {  	s3 =	sadd.s32 $0x88, s3;
	s6 =	simm.s32 @!p1 $0x1082;
	[sflag:s4] =	ssyncset.s32 $0xFFFFF086  }
0x25: {  	[simem:s6], [sflag:s4] =	dma.local [hbm:s3], $0xF7A  }
0x26: {  	[smem:$0x3F9F] =	sst s1;
	(tag) =	ssettag s2;
	_ =	strace s9  }
0x27: {  	s1 =	sld [smem:$0x3FAF]  }
0x28: {  	s2 =	sld [smem:$0x3FB0]  }
0x29: {  	s4 =	sld [smem:$0x3FB2]  }
0x2a: {  	p0 =	seq.s32 s5, $0x0;
	s5 =	sld [smem:$0x3FB3]  }
0x2b: {  	s6 =	sld [smem:$0x3FB4]  }
0x2c: {  	s7 =	sld [smem:$0x3FB5]  }
0x2d: {  	s3 =	simm.s32 $0x108;
	s8 =	sld [smem:$0x3FB6]  }
0x2e: {  	s3 =	simm.s32 @!p0 $0x1082;
	s9 =	sld [smem:$0x3FB7]  }
0x2f: {  	lr =	sadd.s32 s0, s3;
	s0 =	sld [smem:$0x3FAE]  }
0x30: {  	s3 =	sld [smem:$0x3FB1]  }
0x31: {  	[smem:$0x3FBA] =	sst s10  }
0x32: {  	s10 =	sld [smem:$0x3FB8];
	_ =	sdelay $0x3  }
0x33: {  	p0 =	seq.s32 s10, $0x1;
	s10 =	sld [smem:$0x3FBA];
	_ =	sdelay $0x3  }
0x34: {  	[smem:$0x3FBA] =	sst s10  }
0x35: {  	s10 =	sld [smem:$0x3FB9];
	_ =	sdelay $0x3  }
0x36: {  	p1 =	seq.s32 s10, $0x1;
	s10 =	sld [smem:$0x3FBA];
	_ =	sdelay $0x3  }
0x37: {  	[smem:$0x3FBA] =	sst s10  }
0x38: {  	s10 =	sld [smem:$0x3FBB]  }
0x39: {  	_ = 	snop;
	(pc) =	sbr.ind lr, $3  }
0x3a: {  	_ = 	snop  }
0x3b: {  	_ = 	snop  }
0x3c: {  	p2 =	seq.s32 s10, $0x1;
	s10 =	sld [smem:$0x3FBA]  }
0x3d: {  	_ =	shalt  }
0x3e: {  	_ =	shalt  }
0x3f: {  	_ =	shalt  }
0x40: {  	_ =	shalt  }
0x41: {  	_ =	shalt  }
0x42: {  	_ =	shalt  }
0x43: {  	_ =	shalt  }
0x44: {  	_ =	shalt  }
0x45: {  	_ =	shalt  }
0x46: {  	_ =	shalt  }
0x47: {  	_ =	shalt  }
0x48: {  	_ =	shalt  }
0x49: {  	_ =	shalt  }
0x4a: {  	_ =	shalt  }
0x4b: {  	_ =	shalt  }
0x4c: {  	_ =	shalt  }
0x4d: {  	_ =	shalt  }
0x4e: {  	_ =	shalt  }
0x4f: {  	_ =	shalt  }
0x50: {  	_ =	shalt  }
0x51: {  	_ =	shalt  }
0x52: {  	_ =	shalt  }
0x53: {  	_ =	shalt  }
0x54: {  	_ =	shalt  }
0x55: {  	_ =	shalt  }
0x56: {  	_ =	shalt  }
0x57: {  	_ =	shalt  }
0x58: {  	_ =	shalt  }
0x59: {  	_ =	shalt  }
0x5a: {  	_ =	shalt  }
0x5b: {  	_ =	shalt  }
0x5c: {  	_ =	shalt  }
0x5d: {  	_ =	shalt  }
0x5e: {  	_ =	shalt  }
0x5f: {  	_ =	shalt  }
0x60: {  	_ =	shalt  }
0x61: {  	_ =	shalt  }
0x62: {  	_ =	shalt  }
0x63: {  	_ =	shalt  }
0x64: {  	_ =	shalt  }
0x65: {  	_ =	shalt  }
0x66: {  	_ =	shalt  }
0x67: {  	_ =	shalt  }
0x68: {  	_ =	shalt  }
0x69: {  	_ =	shalt  }
0x6a: {  	_ =	shalt  }
0x6b: {  	_ =	shalt  }
0x6c: {  	_ =	shalt  }
0x6d: {  	_ =	shalt  }
0x6e: {  	_ =	shalt  }
0x6f: {  	_ =	shalt  }
0x70: {  	_ =	shalt  }
0x71: {  	_ =	shalt  }
0x72: {  	_ =	shalt  }
0x73: {  	_ =	shalt  }
0x74: {  	_ =	shalt  }
0x75: {  	_ =	shalt  }
0x76: {  	_ =	shalt  }
0x77: {  	_ =	shalt  }
0x78: {  	_ =	shalt  }
0x79: {  	_ =	shalt  }
0x7a: {  	_ =	shalt  }
0x7b: {  	_ =	shalt  }
0x7c: {  	_ =	shalt  }
0x7d: {  	_ =	shalt  }
0x7e: {  	_ =	shalt  }
0x7f: {  	_ =	shalt  }
0x80: {  	_ =	shalt  }
0x81: {  	_ =	shalt  }
0x82: {  	_ =	shalt  }
0x83: {  	_ =	shalt  }
0x84: {  	_ =	shalt  }
0x85: {  	_ =	shalt  }
0x86: {  	_ =	shalt  }
0x87: {  	_ =	shalt  }
.Lfunc_end0:
.L_simem_size_0:
called_computation.1_lowered:
.L_overlay_start_0:
0x88: {  	s2 =	sld [smem:$0x3FD9]  }
0x89: {  	s3 =	sld [smem:$0x3FFE];
	_ =	sdelay $0x1  }
0x8a: {  	s1 =	srdreg.scid  }
0x8b: {  	s0 =	sand.u32 $0x1, s1  }
0x8c: {  	s17 =	sshll.u32 s0, $0xA;
	s2 =	sadd.s32 s3, s2  }
0x8d: {  	s2 =	sadd.s32 s2, s17  }
0x8e: {  	[smem:$0x3FC6] =	sst s2  }
0x8f: {  	_ = 	snop  }
0x90: {  	s2 =	sld [smem:$0x3FD0];
	(tm) =	ssettm $0x1  }
0x91: {  	s18 =	sld [smem:$0x3FFB];
	_ =	sdelay $0x3  }
0x92: {  	_ =	strace s18  }
0x93: {  	s3 =	sld [smem:$0x3FFC];
	_ =	sdelay $0x3  }
0x94: {  	_ =	strace s3  }
0x95: {  	s3 =	sld [smem:$0x3FFD];
	_ =	sdelay $0x3  }
0x96: {  	_ =	strace s3  }
0x97: {  	_ =	strace $0x8FFFFFFF  }
0x98: {  	s19 =	sld [smem:$0x3FDB];
	_ =	sdelay $0x1  }
0x99: {  	s4 =	simm.s32 $_scs_section_size  }
0x9a: {  	s5 =	simm.s32 $_size__tile_overlayer_lowered;
	s6 =	simm.s32 $_tile_overlayer_lowered  }
0x9b: {  	s22 =	simm.s32 $0x1BFF;
	s21 =	sshll.u32 s6, $0x1;
	s3 =	sadd.s32 s4, s19  }
0x9c: {  	s7 =	simm.s32 $0x0;
	s20 =	sshll.u32 s5, $0x1;
	s5 =	sadd.s32 s21, s3  }
0x9d: {  	[timem:s7], [sflag:s22] =	dma.local [hbm:s5], s20  }
0x9e: {  	_ =	swait.ge [sflag:s22], s20  }
0x9f: {  	s4 =	ssub.s32 $0x0, s20;
	[sflag:s22] =	ssyncset.done $0x0  }
0xa0: {  	[sflag:s22] =	ssyncadd.s32 s4;
	_ =	sdelay $0x1  }
0xa1: {  	s23 =	simm.s32 $0x1B8B  }
0xa2: {  	_ =	swait.ge [sflag:s23], $0x1  }
0xa3: {  	[sflag:s23] =	ssyncset.done $0x0  }
0xa4: {  	s25 =	simm.s32 $0x1B8E;
	s24 =	sld [smem:$0x3FFE];
	[sflag:s23] =	ssyncadd.s32 $0xFFFFFFFF  }
0xa5: {  	s26 =	simm.s32 $execute0_lowered;
	[smem:$0x3FD2] =	sst s25  }
0xa6: {  	s5 =	sshll.u32 s26, $0x1;
	_ =	strace $0x80000046;
	[dreg:$0x1] =	wrdreg $0xFFFFFFFF  }
0xa7: {  	s28 =	simm.s32 $_size_execute0_lowered;
	s3 =	sadd.s32 s3, s5;
	[dreg:$0x0] =	wrdreg $0x0  }
0xa8: {  	s5 =	sshll.u32 s28, $0x1;
	[dreg:$0x2] =	wrdreg s3  }
0xa9: {  	[dreg:$0x3] =	wrdreg s5  }
0xaa: {  	[dreg:$0x4] =	wrdreg $0xC0  }
0xab: {  	_ =	task [dreg:s7], $0x5FFFF  }
0xac: {  	[dreg:$0x1] =	wrdreg $0xFFFFFFFF  }
0xad: {  	[dreg:$0x0] =	wrdreg $0x60  }
0xae: {  	[dreg:$0x2] =	wrdreg s2  }
0xaf: {  	[dreg:$0x3] =	wrdreg s24  }
0xb0: {  	[dreg:$0x4] =	wrdreg $0x9  }
0xb1: {  	_ =	task.clear_ibuf [dreg:s7], $0x5FFFF;
	_ =	strace $0x90000046  }
0xb2: {  	s29 =	simm.s32 $0x9;
	_ =	strace $0x80000048  }
0xb3: {  	_ =	swait.ge [sflag:s29], $0x1  }
0xb4: {  	[sflag:s29] =	ssyncadd.s32 $0xFFFFFFFF  }
0xb5: {  	_ =	strace $0x90000048  }
0xb6: {  	_ =	sfence  }
0xb7: {  	s30 =	sld [smem:$0x0];
	_ =	sdelay $0x2  }
0xb8: {  	s31 =	sshll.u32 s1, $0xD;
	s1 =	sshrl.u32 s1, $0x2  }
0xb9: {  	s3 =	sand.u32 $0x4000, s31;
	s1 =	sadd.s32 s1, s30  }
0xba: {  	s0 =	sor.u32 s3, s0;
	s1 =	sshll.u32 s1, $0x11  }
0xbb: {  	s0 =	sor.u32 s1, s0  }
0xbc: {  	s0 =	sadd.s32 $0x8F2B, s0  }
0xbd: {  	[sflag:s0] =	ssyncadd.remote.s32 $0x1  }
0xbe: {  	_ =	sfence.sel $0xFFFF  }
0xbf: {  	[dreg:$0x0] =	wrdreg $0xFFFFFFFF;
	(pc) =	sbr.abs _section_cstart, $3  }
0xc0: {  	[dreg:$0x1] =	wrdreg $0xFFFFFFFF  }
0xc1: {  	_ =	task.clear_ibuf [dreg:s7], $0x2FFFF;
	_ =	strace $0x9FFFFFFF  }
0xc2: {  	(tm) =	ssettm $0x7FFFFFFF  }
0xc3: {  	_ =	shalt  }
tec
execute0_lowered:
.L_overlay_start_1:
0x0: {  	(tag) =	ssettag $0x1  }
0x1: {  	s0 =	srdreg.scid;
	s2 =	rddreg [dreg:$0x0]  }
0x2: {  	s1 =	stileid.u32;
	s6 =	rddreg [dreg:$0x1];
	s3 =	simm.s32 $0x0  }
0x3: {  	s10 =	simm.s32 $0x5;
	s11 =	simm.s32 $0x6400;
	s20 =	simm.s32 $0xC400  }
0x4: {  	s23 =	simm.s32 $0x40;
	s25 =	simm.s32 $0xF400;
	s26 =	simm.s32 $0x10000  }
0x5: {  	s28 =	simm.s32 $0x10C00;
	s29 =	simm.s32 $0x11800;
	s30 =	simm.s32 $0x14400  }
0x6: {  	s31 =	simm.s32 $0x1;
	s0 =	sand.u32 $0x1, s0;
	s1 =	sshll.u32 s1, $0x1  }
0x7: {  	v0 =	vimm.s32 $0x23222120;
	v1 =	vimm.s32 $0x27262524;
	v2 =	vlaneseq.u32;
	s12 =	simm.s32 $0x4;
	s13 =	simm.s32 $0x0;
	s1 =	sor.u32 s0, s1  }
0x8: {  	vm0 =	vcmask $0xF00;
	v3 =	vimm.s32 $0x2B2A2928;
	[smem:$0x7FF] =	sst s3;
	v0 =	vunpack.c.0.s8.s32 v0;
	s0 =	ssub.s32 $0x2, s0;
	s4 =	smul.u32 $0x6400, s1  }
0x9: {  	vm1 =	vcmask $0x2F20;
	s5 =	sadd.s32 $0x1A0200, s6;
	v1 =	vunpack.c.0.s8.s32 v1;
	v4 =	vshrl.u32 v2, $0x3;
	_ =	strace $0x80000047;
	s7 =	sshrl.u32 s0, $0x1  }
0xa: {  	v3 =	vunpack.c.0.s8.s32 v3;
	v0 =	vnsel vm0, $0x2B, v0;
	vm0 =	vcmask $0x1F10;
	s0 =	ssub.s32 s0, s7;
	s1 =	sshrl.u32 s4, $0x3;
	s8 =	sor.u32 $0x40, s4  }
0xb: {  	v5 =	vsel vm0, v1, v0;
	v0 =	vand.u32 $0x7, v2;
	v1 =	vmul.u32 $0x8, v4;
	s9 =	smax.u32 s0, $0x1;
	s0 =	simm.s32 $0x3;
	s1 =	sadd.s32 s1, s6  }
0xc: {  	vm0 =	vmmov $0xffff;
	v2 =	vor.u32 $0x8, v2;
	v3 =	vsel vm1, v3, v5;
	s6 =	sadd.s32 $0x326C00, s6;
	s7 =	sadd.s32 $0x800, s1;
	s1 =	simm.s32 $0x2  }
.LBB2_1:
0xd: {  	[tilespmem:s3], [sflag:$0x5] =	stream.linear.gather [hbm4b:s7+s3], $0x6400, $0x38;
	[tilespmem:$0x16400] =	vst v63  }
0xe: {  	_ =	swait.ge [sflag:s10], $0x6400  }
0xf: {  	[sflag:s10] =	ssyncset.done $0x0  }
0x10: {  	[sflag:s10] =	ssyncadd.s32 $0xFFFF9C00  }
0x11: {  	v4 =	vld [tilespmem:$0x0];
	_ =	sdelay $0x4  }
0x12: {  	v5 =	vshrl.u32 v4, $0x3  }
0x13: {  	v5 =	vmul.u32 $0x18, v5  }
0x14: {  	v4 =	vand.u32 $0x7, v4  }
0x15: {  	v4 =	vor.u32 v4, v5  }
0x16: {  	v5 =	vperm.xlane v4, v0;
	_ =	sdelay $0x1  }
0x17: {  	v4 =	vperm.xlane v4, v2;
	v5 =	vadd.s32 v1, v5;
	_ =	sdelay $0x1  }
0x18: {  	v4 =	vadd.s32 v1, v4;
	_ =	sdelay $0x2  }
0x19: {  	[tilespmem:s11], [sflag:$0x1] =	stream.indirect_vreg.gather [hbm4b:s2+s3], $0x80, v5, vm0, $0xb8;
	[tilespmem:$0x16400] =	vst v63  }
0x1a: {  	s14 =	simm.s32 $0x7000  }
0x1b: {  	[tilespmem:s14], [sflag:$0x1] =	stream.indirect_vreg.gather [hbm4b:s2+s3], $0x80, v4, vm0, $0xb8;
	[tilespmem:$0x16400] =	vst v63  }
0x1c: {  	v4 =	vld [tilespmem:$0x10];
	_ =	sdelay $0x4  }
0x1d: {  	v5 =	vshrl.u32 v4, $0x3  }
0x1e: {  	v5 =	vmul.u32 $0x18, v5  }
0x1f: {  	v4 =	vand.u32 $0x7, v4  }
0x20: {  	v4 =	vor.u32 v4, v5  }
0x21: {  	v5 =	vperm.xlane v4, v0;
	_ =	sdelay $0x1  }
0x22: {  	v4 =	vperm.xlane v4, v2;
	v5 =	vadd.s32 v1, v5;
	_ =	sdelay $0x1  }
0x23: {  	v4 =	vadd.s32 v1, v4;
	_ =	sdelay $0x1  }
0x24: {  	s22 =	simm.s32 $0x7C00  }
0x25: {  	[tilespmem:s22], [sflag:$0x1] =	stream.indirect_vreg.gather [hbm4b:s2+s3], $0x80, v5, vm0, $0xb8;
	[tilespmem:$0x16400] =	vst v63  }
0x26: {  	s24 =	simm.s32 $0x8800  }
0x27: {  	[tilespmem:s24], [sflag:$0x1] =	stream.indirect_vreg.gather [hbm4b:s2+s3], $0x80, v4, vm0, $0xb8;
	[tilespmem:$0x16400] =	vst v63  }
0x28: {  	v4 =	vld [tilespmem:$0x20];
	_ =	sdelay $0x4  }
0x29: {  	v5 =	vshrl.u32 v4, $0x3  }
0x2a: {  	v5 =	vmul.u32 $0x18, v5  }
0x2b: {  	v4 =	vand.u32 $0x7, v4  }
0x2c: {  	v4 =	vor.u32 v4, v5  }
0x2d: {  	v5 =	vperm.xlane v4, v0;
	_ =	sdelay $0x1  }
0x2e: {  	v4 =	vperm.xlane v4, v2;
	v5 =	vadd.s32 v1, v5;
	_ =	sdelay $0x1  }
0x2f: {  	v4 =	vadd.s32 v1, v4;
	_ =	sdelay $0x1  }
0x30: {  	s15 =	simm.s32 $0x9400  }
0x31: {  	[tilespmem:s15], [sflag:$0x1] =	stream.indirect_vreg.gather [hbm4b:s2+s3], $0x80, v5, vm0, $0xb8;
	[tilespmem:$0x16400] =	vst v63  }
0x32: {  	s16 =	simm.s32 $0xA000  }
0x33: {  	[tilespmem:s16], [sflag:$0x1] =	stream.indirect_vreg.gather [hbm4b:s2+s3], $0x80, v4, vm0, $0xb8;
	[tilespmem:$0x16400] =	vst v63  }
0x34: {  	v4 =	vld [tilespmem:$0x30];
	_ =	sdelay $0x4  }
0x35: {  	v5 =	vshrl.u32 v4, $0x3  }
0x36: {  	v5 =	vmul.u32 $0x18, v5  }
0x37: {  	v4 =	vand.u32 $0x7, v4  }
0x38: {  	v4 =	vor.u32 v4, v5  }
0x39: {  	v5 =	vperm.xlane v4, v0;
	_ =	sdelay $0x1  }
0x3a: {  	v4 =	vperm.xlane v4, v2;
	v5 =	vadd.s32 v1, v5;
	_ =	sdelay $0x1  }
0x3b: {  	v4 =	vadd.s32 v1, v4;
	_ =	sdelay $0x1  }
0x3c: {  	s17 =	simm.s32 $0xAC00  }
0x3d: {  	[tilespmem:s17], [sflag:$0x1] =	stream.indirect_vreg.gather [hbm4b:s2+s3], $0x80, v5, vm0, $0xb8;
	[tilespmem:$0x16400] =	vst v63  }
0x3e: {  	s18 =	simm.s32 $0xB800  }
0x3f: {  	[tilespmem:s18], [sflag:$0x1] =	stream.indirect_vreg.gather [hbm4b:s2+s3], $0x80, v4, vm0, $0xb8;
	[tilespmem:$0x16400] =	vst v63  }
0x40: {  	s19 =	simm.s32 $0x12400  }
0x41: {  	[tilespmem:s19], [sflag:$0x1] =	stream.indirect.gather [hbm4b:s5+s23], $0x80, s3, s23, $0xb8;
	[tilespmem:$0x16400] =	vst v63  }
0x42: {  	v4 =	vld [tilespmem:$0x40];
	_ =	sdelay $0x4  }
0x43: {  	v5 =	vshrl.u32 v4, $0x3  }
0x44: {  	v5 =	vmul.u32 $0x18, v5  }
0x45: {  	v4 =	vand.u32 $0x7, v4  }
0x46: {  	v4 =	vor.u32 v4, v5  }
0x47: {  	v5 =	vperm.xlane v4, v0;
	_ =	sdelay $0x1  }
0x48: {  	v4 =	vperm.xlane v4, v2;
	v5 =	vadd.s32 v1, v5;
	_ =	sdelay $0x1  }
0x49: {  	v4 =	vadd.s32 v1, v4;
	_ =	sdelay $0x2  }
0x4a: {  	[tilespmem:s20], [sflag:$0x2] =	stream.indirect_vreg.gather [hbm4b:s2+s3], $0x80, v5, vm0, $0xb8;
	[tilespmem:$0x16400] =	vst v63  }
0x4b: {  	s21 =	simm.s32 $0xD000  }
0x4c: {  	[tilespmem:s21], [sflag:$0x2] =	stream.indirect_vreg.gather [hbm4b:s2+s3], $0x80, v4, vm0, $0xb8;
	[tilespmem:$0x16400] =	vst v63  }
0x4d: {  	v4 =	vld [tilespmem:$0x50];
	_ =	sdelay $0x4  }
0x4e: {  	v5 =	vshrl.u32 v4, $0x3  }
0x4f: {  	v5 =	vmul.u32 $0x18, v5  }
0x50: {  	v4 =	vand.u32 $0x7, v4  }
0x51: {  	v4 =	vor.u32 v4, v5  }
0x52: {  	v5 =	vperm.xlane v4, v0;
	_ =	sdelay $0x1  }
0x53: {  	v4 =	vperm.xlane v4, v2;
	v5 =	vadd.s32 v1, v5;
	_ =	sdelay $0x1  }
0x54: {  	v4 =	vadd.s32 v1, v4;
	_ =	sdelay $0x1  }
0x55: {  	s22 =	simm.s32 $0xDC00  }
0x56: {  	[tilespmem:s22], [sflag:$0x2] =	stream.indirect_vreg.gather [hbm4b:s2+s3], $0x80, v5, vm0, $0xb8;
	[tilespmem:$0x16400] =	vst v63  }
0x57: {  	s24 =	simm.s32 $0xE800  }
0x58: {  	[tilespmem:s24], [sflag:$0x2] =	stream.indirect_vreg.gather [hbm4b:s2+s3], $0x80, v4, vm0, $0xb8;
	[tilespmem:$0x16400] =	vst v63  }
0x59: {  	v4 =	vld [tilespmem:$0x60];
	_ =	sdelay $0x4  }
0x5a: {  	v5 =	vshrl.u32 v4, $0x3  }
0x5b: {  	v5 =	vmul.u32 $0x18, v5  }
0x5c: {  	v4 =	vand.u32 $0x7, v4  }
0x5d: {  	v4 =	vor.u32 v4, v5  }
0x5e: {  	v5 =	vperm.xlane v4, v0;
	_ =	sdelay $0x1  }
0x5f: {  	v4 =	vperm.xlane v4, v2;
	v5 =	vadd.s32 v1, v5;
	_ =	sdelay $0x1  }
0x60: {  	v4 =	vadd.s32 v1, v4;
	_ =	sdelay $0x2  }
0x61: {  	[tilespmem:s25], [sflag:$0x2] =	stream.indirect_vreg.gather [hbm4b:s2+s3], $0x80, v5, vm0, $0xb8;
	[tilespmem:$0x16400] =	vst v63  }
0x62: {  	_ = 	snop  }
0x63: {  	[tilespmem:s26], [sflag:$0x2] =	stream.indirect_vreg.gather [hbm4b:s2+s3], $0x80, v4, vm0, $0xb8;
	[tilespmem:$0x16400] =	vst v63  }
0x64: {  	v4 =	vld [tilespmem:$0x70];
	_ =	sdelay $0x4  }
0x65: {  	v5 =	vshrl.u32 v4, $0x3  }
0x66: {  	v5 =	vmul.u32 $0x18, v5  }
0x67: {  	v4 =	vand.u32 $0x7, v4  }
0x68: {  	v4 =	vor.u32 v4, v5  }
0x69: {  	v5 =	vperm.xlane v4, v0;
	_ =	sdelay $0x1  }
0x6a: {  	v4 =	vperm.xlane v4, v2;
	v5 =	vadd.s32 v1, v5;
	_ =	sdelay $0x1  }
0x6b: {  	v4 =	vadd.s32 v1, v4;
	_ =	sdelay $0x2  }
0x6c: {  	[tilespmem:s28], [sflag:$0x2] =	stream.indirect_vreg.gather [hbm4b:s2+s3], $0x80, v5, vm0, $0xb8;
	[tilespmem:$0x16400] =	vst v63  }
0x6d: {  	_ = 	snop  }
0x6e: {  	[tilespmem:s29], [sflag:$0x2] =	stream.indirect_vreg.gather [hbm4b:s2+s3], $0x80, v4, vm0, $0xb8;
	[tilespmem:$0x16400] =	vst v63  }
0x6f: {  	s14 =	simm.s32 $0x0  }
0x70: {  	[tilespmem:s30], [sflag:$0x2] =	stream.indirect.gather [hbm4b:s5+s23], $0x80, s23, s23, $0xb8;
	[tilespmem:$0x16400] =	vst v63  }
.LBB2_2:
0x71: {  	_ =	swait.ge [sflag:s31], $0x4000;
	s15 =	simm.s32 $0x0  }
0x72: {  	[sflag:s31] =	ssyncset.done $0x0;
	v4 =	vmov s15  }
0x73: {  	[sflag:s31] =	ssyncadd.s32 $0xFFFFC000;
	v4 =	vshrl.u32 v4, $0x3  }
0x74: {  	_ =	swait.ge [sflag:s31], $0x2000;
	v4 =	vmul.u32 $0xC00, v4  }
0x75: {  	[sflag:s31] =	ssyncset.done $0x0  }
0x76: {  	s15 =	simm.s32 $0x12600;
	[sflag:s31] =	ssyncadd.s32 $0xFFFFE000;
	v4 =	vadd.s32 $0x800, v4  }
0x77: {  	v4 =	vbroadcast v4, $0x0;
	v5 =	vld [tilespmem:s15+$0xFFFFFE00]  }
0x78: {  	v6 =	vld [tilespmem:s15+$0xFFFFFE10]  }
0x79: {  	s16 =	simm.s32 $0x1;
	v7 =	vld [tilespmem:s15+$0xFFFFFE20];
	v4 =	vor.u32 v3, v4  }
0x7a: {  	v8 =	vmov s16  }
0x7b: {  	s16 =	simm.s32 $0x6F90;
	v8 =	vshrl.u32 v8, $0x3  }
0x7c: {  	[tilespmem:s16+$0xFFFFFC70] =	vst v5;
	v5 =	vmul.u32 $0xC00, v8  }
0x7d: {  	[tilespmem:s16+$0xFFFFFC80] =	vst v6  }
0x7e: {  	[tilespmem:v4+s11+$0x0] =	vst.idx.msk $0xfff, v7;
	v4 =	vadd.s32 $0x880, v5  }
0x7f: {  	v5 =	vld [tilespmem:s15+$0xFFFFFE80];
	v4 =	vbroadcast v4, $0x0  }
0x80: {  	v6 =	vld [tilespmem:s15+$0xFFFFFE90]  }
0x81: {  	s17 =	simm.s32 $0x2;
	v7 =	vld [tilespmem:s15+$0xFFFFFEA0];
	v4 =	vor.u32 v3, v4  }
0x82: {  	v8 =	vmov s17  }
0x83: {  	v8 =	vshrl.u32 v8, $0x3  }
0x84: {  	[tilespmem:s16+$0xFFFFFCF0] =	vst v5;
	v5 =	vmul.u32 $0xC00, v8  }
0x85: {  	[tilespmem:s16+$0xFFFFFD00] =	vst v6  }
0x86: {  	[tilespmem:v4+s11+$0x0] =	vst.idx.msk $0xfff, v7;
	v4 =	vadd.s32 $0x900, v5  }
0x87: {  	v5 =	vld [tilespmem:s15+$0xFFFFFF00];
	v4 =	vbroadcast v4, $0x0  }
0x88: {  	v6 =	vld [tilespmem:s15+$0xFFFFFF10]  }
0x89: {  	s18 =	simm.s32 $0x3;
	v7 =	vld [tilespmem:s15+$0xFFFFFF20];
	v4 =	vor.u32 v3, v4  }
0x8a: {  	v8 =	vmov s18  }
0x8b: {  	v8 =	vshrl.u32 v8, $0x3  }
0x8c: {  	[tilespmem:s16+$0xFFFFFD70] =	vst v5;
	v5 =	vmul.u32 $0xC00, v8  }
0x8d: {  	[tilespmem:s16+$0xFFFFFD80] =	vst v6  }
0x8e: {  	[tilespmem:v4+s11+$0x0] =	vst.idx.msk $0xfff, v7;
	v4 =	vadd.s32 $0x980, v5  }
0x8f: {  	v5 =	vld [tilespmem:s15+$0xFFFFFF80];
	v4 =	vbroadcast v4, $0x0  }
0x90: {  	v6 =	vld [tilespmem:s15+$0xFFFFFF90]  }
0x91: {  	s19 =	simm.s32 $0x4;
	v7 =	vld [tilespmem:s15+$0xFFFFFFA0];
	v4 =	vor.u32 v3, v4  }
0x92: {  	v8 =	vmov s19  }
0x93: {  	v8 =	vshrl.u32 v8, $0x3  }
0x94: {  	[tilespmem:s16+$0xFFFFFDF0] =	vst v5;
	v5 =	vmul.u32 $0xC00, v8  }
0x95: {  	[tilespmem:s16+$0xFFFFFE00] =	vst v6  }
0x96: {  	[tilespmem:v4+s11+$0x0] =	vst.idx.msk $0xfff, v7;
	v4 =	vadd.s32 $0xA00, v5  }
0x97: {  	v5 =	vld [tilespmem:s15+$0x0];
	v4 =	vbroadcast v4, $0x0  }
0x98: {  	v6 =	vld [tilespmem:s15+$0x10]  }
0x99: {  	s21 =	simm.s32 $0x5;
	v7 =	vld [tilespmem:s15+$0x20];
	v4 =	vor.u32 v3, v4  }
0x9a: {  	v8 =	vmov s21  }
0x9b: {  	v8 =	vshrl.u32 v8, $0x3  }
0x9c: {  	[tilespmem:s16+$0xFFFFFE70] =	vst v5;
	v5 =	vmul.u32 $0xC00, v8  }
0x9d: {  	[tilespmem:s16+$0xFFFFFE80] =	vst v6  }
0x9e: {  	[tilespmem:v4+s11+$0x0] =	vst.idx.msk $0xfff, v7;
	v4 =	vadd.s32 $0xA80, v5  }
0x9f: {  	v5 =	vld [tilespmem:s15+$0x80];
	v4 =	vbroadcast v4, $0x0  }
0xa0: {  	v6 =	vld [tilespmem:s15+$0x90]  }
0xa1: {  	v7 =	vld [tilespmem:s15+$0xA0];
	v4 =	vor.u32 v3, v4;
	_ =	sdelay $0x1  }
0xa2: {  	s22 =	simm.s32 $0x6  }
0xa3: {  	[tilespmem:s16+$0xFFFFFEF0] =	vst v5;
	v5 =	vmov s22  }
0xa4: {  	[tilespmem:s16+$0xFFFFFF00] =	vst v6;
	v5 =	vshrl.u32 v5, $0x3  }
0xa5: {  	[tilespmem:v4+s11+$0x0] =	vst.idx.msk $0xfff, v7;
	v4 =	vmul.u32 $0xC00, v5;
	_ =	sdelay $0x1  }
0xa6: {  	v4 =	vadd.s32 $0xB00, v4  }
0xa7: {  	v8 =	vld [tilespmem:s15+$0x100];
	v6 =	vbroadcast v4, $0x0  }
0xa8: {  	s24 =	simm.s32 $0x7;
	v5 =	vld [tilespmem:s15+$0x110]  }
0xa9: {  	v7 =	vmov s24;
	v4 =	vld [tilespmem:s15+$0x120];
	v6 =	vor.u32 v3, v6  }
0xaa: {  	v7 =	vshrl.u32 v7, $0x3  }
0xab: {  	v7 =	vmul.u32 $0xC00, v7  }
0xac: {  	s17 =	simm.s32 $0x12600;
	s18 =	simm.s32 $0xF;
	s19 =	simm.s32 $0x6F90;
	[tilespmem:s16+$0xFFFFFF70] =	vst v8  }
.LBB2_3:
0xad: {  	p0 =	sne.s32 s18, $0x3F;
	[tilespmem:s16+$0xFFFFFF80] =	vst v5;
	v5 =	vadd.s32 $0xB80, v7;
	s19 =	sadd.s32 $0xC00, s19;
	s15 =	sadd.s32 $0x400, s15  }
0xae: {  	s21 =	smov.u32 s18;
	s18 =	sadd.s32 $0x8, s18;
	[tilespmem:v6+s11+$0x0] =	vst.idx.msk $0xfff, v4;
	v4 =	vbroadcast v5, $0x0  }
0xaf: {  	s22 =	sadd.s32 $0xFFFFFFF9, s21;
	v5 =	vld [tilespmem:s17+$0x180]  }
0xb0: {  	v6 =	vmov s22;
	v7 =	vld [tilespmem:s17+$0x190];
	v4 =	vor.u32 v3, v4  }
0xb1: {  	v6 =	vshrl.u32 v6, $0x3;
	v8 =	vld [tilespmem:s17+$0x1A0];
	s17 =	smov.u32 s15  }
0xb2: {  	v6 =	vmul.u32 $0xC00, v6;
	_ =	sdelay $0x1  }
0xb3: {  	v6 =	vadd.s32 $0x800, v6;
	[tilespmem:s16+$0xFFFFFFF0] =	vst v5  }
0xb4: {  	v5 =	vbroadcast v6, $0x0;
	[tilespmem:s16+$0x0] =	vst v7;
	s16 =	smov.u32 s19  }
0xb5: {  	[tilespmem:v4+s11+$0x0] =	vst.idx.msk $0xfff, v8  }
0xb6: {  	v5 =	vor.u32 v3, v5;
	v4 =	vld [tilespmem:s15+$0xFFFFFE00]  }
0xb7: {  	v6 =	vld [tilespmem:s15+$0xFFFFFE10]  }
0xb8: {  	s22 =	sadd.s32 $0xFFFFFFFA, s21;
	v7 =	vld [tilespmem:s15+$0xFFFFFE20]  }
0xb9: {  	v8 =	vmov s22  }
0xba: {  	v8 =	vshrl.u32 v8, $0x3  }
0xbb: {  	[tilespmem:s19+$0xFFFFFC70] =	vst v4;
	v4 =	vmul.u32 $0xC00, v8  }
0xbc: {  	[tilespmem:s19+$0xFFFFFC80] =	vst v6  }
0xbd: {  	[tilespmem:v5+s11+$0x0] =	vst.idx.msk $0xfff, v7;
	v4 =	vadd.s32 $0x880, v4  }
0xbe: {  	v5 =	vld [tilespmem:s15+$0xFFFFFE80];
	v4 =	vbroadcast v4, $0x0  }
0xbf: {  	v6 =	vld [tilespmem:s15+$0xFFFFFE90]  }
0xc0: {  	s22 =	sadd.s32 $0xFFFFFFFB, s21;
	v7 =	vld [tilespmem:s15+$0xFFFFFEA0];
	v4 =	vor.u32 v3, v4  }
0xc1: {  	v8 =	vmov s22  }
0xc2: {  	v8 =	vshrl.u32 v8, $0x3  }
0xc3: {  	[tilespmem:s19+$0xFFFFFCF0] =	vst v5;
	v5 =	vmul.u32 $0xC00, v8  }
0xc4: {  	[tilespmem:s19+$0xFFFFFD00] =	vst v6  }
0xc5: {  	[tilespmem:v4+s11+$0x0] =	vst.idx.msk $0xfff, v7;
	v4 =	vadd.s32 $0x900, v5  }
0xc6: {  	v5 =	vld [tilespmem:s15+$0xFFFFFF00];
	v4 =	vbroadcast v4, $0x0  }
0xc7: {  	v6 =	vld [tilespmem:s15+$0xFFFFFF10]  }
0xc8: {  	s22 =	sadd.s32 $0xFFFFFFFC, s21;
	v7 =	vld [tilespmem:s15+$0xFFFFFF20];
	v4 =	vor.u32 v3, v4  }
0xc9: {  	v8 =	vmov s22  }
0xca: {  	v8 =	vshrl.u32 v8, $0x3  }
0xcb: {  	[tilespmem:s19+$0xFFFFFD70] =	vst v5;
	v5 =	vmul.u32 $0xC00, v8  }
0xcc: {  	[tilespmem:s19+$0xFFFFFD80] =	vst v6  }
0xcd: {  	[tilespmem:v4+s11+$0x0] =	vst.idx.msk $0xfff, v7;
	v4 =	vadd.s32 $0x980, v5  }
0xce: {  	v5 =	vld [tilespmem:s15+$0xFFFFFF80];
	v4 =	vbroadcast v4, $0x0  }
0xcf: {  	v6 =	vld [tilespmem:s15+$0xFFFFFF90]  }
0xd0: {  	s22 =	sadd.s32 $0xFFFFFFFD, s21;
	v7 =	vld [tilespmem:s15+$0xFFFFFFA0];
	v4 =	vor.u32 v3, v4  }
0xd1: {  	v8 =	vmov s22  }
0xd2: {  	v8 =	vshrl.u32 v8, $0x3  }
0xd3: {  	[tilespmem:s19+$0xFFFFFDF0] =	vst v5;
	v5 =	vmul.u32 $0xC00, v8  }
0xd4: {  	[tilespmem:s19+$0xFFFFFE00] =	vst v6  }
0xd5: {  	[tilespmem:v4+s11+$0x0] =	vst.idx.msk $0xfff, v7;
	v4 =	vadd.s32 $0xA00, v5  }
0xd6: {  	v5 =	vld [tilespmem:s15+$0x0];
	v4 =	vbroadcast v4, $0x0  }
0xd7: {  	v6 =	vld [tilespmem:s15+$0x10]  }
0xd8: {  	s22 =	sadd.s32 $0xFFFFFFFE, s21;
	v7 =	vld [tilespmem:s15+$0x20];
	v4 =	vor.u32 v3, v4  }
0xd9: {  	v8 =	vmov s22  }
0xda: {  	v8 =	vshrl.u32 v8, $0x3  }
0xdb: {  	[tilespmem:s19+$0xFFFFFE70] =	vst v5;
	v5 =	vmul.u32 $0xC00, v8  }
0xdc: {  	[tilespmem:s19+$0xFFFFFE80] =	vst v6  }
0xdd: {  	[tilespmem:v4+s11+$0x0] =	vst.idx.msk $0xfff, v7;
	v4 =	vadd.s32 $0xA80, v5  }
0xde: {  	v5 =	vld [tilespmem:s15+$0x80];
	v4 =	vbroadcast v4, $0x0  }
0xdf: {  	v6 =	vld [tilespmem:s15+$0x90]  }
0xe0: {  	s22 =	sadd.s32 $0xFFFFFFFF, s21;
	v7 =	vld [tilespmem:s15+$0xA0];
	v4 =	vor.u32 v3, v4  }
0xe1: {  	v8 =	vmov s22  }
0xe2: {  	v8 =	vshrl.u32 v8, $0x3  }
0xe3: {  	[tilespmem:s19+$0xFFFFFEF0] =	vst v5;
	v5 =	vmul.u32 $0xC00, v8  }
0xe4: {  	[tilespmem:s19+$0xFFFFFF00] =	vst v6  }
0xe5: {  	[tilespmem:v4+s11+$0x0] =	vst.idx.msk $0xfff, v7;
	v4 =	vadd.s32 $0xB00, v5  }
0xe6: {  	v8 =	vld [tilespmem:s15+$0x100];
	v6 =	vbroadcast v4, $0x0  }
.Ltmp0:
0xe7: {  	v5 =	vld [tilespmem:s15+$0x110];
	(pc) =	sbr.rel @p0 .LBB2_3-.Ltmp0, $4  }
0xe8: {  	v7 =	vmov s21;
	v4 =	vld [tilespmem:s15+$0x120];
	v6 =	vor.u32 v3, v6  }
0xe9: {  	v7 =	vshrl.u32 v7, $0x3  }
0xea: {  	v7 =	vmul.u32 $0xC00, v7  }
0xeb: {  	[tilespmem:s19+$0xFFFFFF70] =	vst v8  }
0xec: {  	_ =	sdelay $0x2  }
0xed: {  	[tilespmem:s16+$0xFFFFFF80] =	vst v5  }
0xee: {  	v5 =	vadd.s32 $0xB80, v7;
	[tilespmem:v6+s11+$0x0] =	vst.idx.msk $0xfff, v4  }
0xef: {  	v4 =	vbroadcast v5, $0x0;
	v5 =	vld [tilespmem:s17+$0x180]  }
0xf0: {  	v6 =	vld [tilespmem:s17+$0x190]  }
0xf1: {  	s15 =	sshll.u32 s14, $0x7;
	v7 =	vld [tilespmem:s17+$0x1A0];
	v4 =	vor.u32 v3, v4  }
0xf2: {  	s18 =	sadd.s32 s4, s15  }
0xf3: {  	s17 =	sshrl.u32 s18, $0x3  }
0xf4: {  	s17 =	smul.u32 $0x180, s17;
	[tilespmem:s16+$0xFFFFFFF0] =	vst v5  }
0xf5: {  	[tilespmem:s16+$0x0] =	vst v6  }
0xf6: {  	s19 =	sadd.s32 s6, s17;
	[tilespmem:v4+s11+$0x0] =	vst.idx.msk $0xfff, v7  }
0xf7: {  	[hbm4b:s19+s3] =	stream.linear.scatter [tilespmem:s11], [sflag:$0x3], $0x6000, $0x38;
	[tilespmem:$0x16400] =	vst v63  }
0xf8: {  	s21 =	simm.s32 $0x0;
	_ =	swait.ge [sflag:s1], $0x4000  }
0xf9: {  	v4 =	vmov s21;
	[sflag:s1] =	ssyncset.done $0x0  }
0xfa: {  	v4 =	vshrl.u32 v4, $0x3;
	[sflag:s1] =	ssyncadd.s32 $0xFFFFC000  }
0xfb: {  	v4 =	vmul.u32 $0xC00, v4;
	_ =	swait.ge [sflag:s1], $0x2000  }
0xfc: {  	[sflag:s1] =	ssyncset.done $0x0  }
0xfd: {  	s17 =	simm.s32 $0x14600;
	v4 =	vadd.s32 $0x800, v4;
	[sflag:s1] =	ssyncadd.s32 $0xFFFFE000  }
0xfe: {  	v4 =	vbroadcast v4, $0x0;
	v5 =	vld [tilespmem:s17+$0xFFFFFE00]  }
0xff: {  	v6 =	vld [tilespmem:s17+$0xFFFFFE10]  }
0x100: {  	s22 =	simm.s32 $0x1;
	v4 =	vor.u32 v3, v4;
	v7 =	vld [tilespmem:s17+$0xFFFFFE20]  }
0x101: {  	v8 =	vmov s22  }
0x102: {  	v8 =	vshrl.u32 v8, $0x3;
	s16 =	simm.s32 $0xCF90  }
0x103: {  	[tilespmem:s16+$0xFFFFFC70] =	vst v5;
	v5 =	vmul.u32 $0xC00, v8  }
0x104: {  	[tilespmem:s16+$0xFFFFFC80] =	vst v6  }
0x105: {  	[tilespmem:v4+s20+$0x0] =	vst.idx.msk $0xfff, v7;
	v4 =	vadd.s32 $0x880, v5  }
0x106: {  	v5 =	vld [tilespmem:s17+$0xFFFFFE80];
	v4 =	vbroadcast v4, $0x0  }
0x107: {  	v6 =	vld [tilespmem:s17+$0xFFFFFE90]  }
0x108: {  	s18 =	simm.s32 $0x2;
	v7 =	vld [tilespmem:s17+$0xFFFFFEA0];
	v4 =	vor.u32 v3, v4  }
0x109: {  	v8 =	vmov s18  }
0x10a: {  	v8 =	vshrl.u32 v8, $0x3  }
0x10b: {  	[tilespmem:s16+$0xFFFFFCF0] =	vst v5;
	v5 =	vmul.u32 $0xC00, v8  }
0x10c: {  	[tilespmem:s16+$0xFFFFFD00] =	vst v6  }
0x10d: {  	[tilespmem:v4+s20+$0x0] =	vst.idx.msk $0xfff, v7;
	v4 =	vadd.s32 $0x900, v5  }
0x10e: {  	v5 =	vld [tilespmem:s17+$0xFFFFFF00];
	v4 =	vbroadcast v4, $0x0  }
0x10f: {  	v6 =	vld [tilespmem:s17+$0xFFFFFF10]  }
0x110: {  	s24 =	simm.s32 $0x3;
	v7 =	vld [tilespmem:s17+$0xFFFFFF20];
	v4 =	vor.u32 v3, v4  }
0x111: {  	v8 =	vmov s24  }
0x112: {  	v8 =	vshrl.u32 v8, $0x3  }
0x113: {  	[tilespmem:s16+$0xFFFFFD70] =	vst v5;
	v5 =	vmul.u32 $0xC00, v8  }
0x114: {  	[tilespmem:s16+$0xFFFFFD80] =	vst v6  }
0x115: {  	[tilespmem:v4+s20+$0x0] =	vst.idx.msk $0xfff, v7;
	v4 =	vadd.s32 $0x980, v5  }
0x116: {  	v5 =	vld [tilespmem:s17+$0xFFFFFF80];
	v4 =	vbroadcast v4, $0x0  }
0x117: {  	v6 =	vld [tilespmem:s17+$0xFFFFFF90]  }
0x118: {  	s19 =	simm.s32 $0x4;
	v7 =	vld [tilespmem:s17+$0xFFFFFFA0];
	v4 =	vor.u32 v3, v4  }
0x119: {  	v8 =	vmov s19  }
0x11a: {  	v8 =	vshrl.u32 v8, $0x3  }
0x11b: {  	[tilespmem:s16+$0xFFFFFDF0] =	vst v5;
	v5 =	vmul.u32 $0xC00, v8  }
0x11c: {  	[tilespmem:s16+$0xFFFFFE00] =	vst v6  }
0x11d: {  	[tilespmem:v4+s20+$0x0] =	vst.idx.msk $0xfff, v7;
	v4 =	vadd.s32 $0xA00, v5  }
0x11e: {  	v5 =	vld [tilespmem:s17+$0x0];
	v4 =	vbroadcast v4, $0x0  }
0x11f: {  	v6 =	vld [tilespmem:s17+$0x10]  }
0x120: {  	s21 =	simm.s32 $0x5;
	v7 =	vld [tilespmem:s17+$0x20];
	v4 =	vor.u32 v3, v4  }
0x121: {  	v8 =	vmov s21  }
0x122: {  	v8 =	vshrl.u32 v8, $0x3  }
0x123: {  	[tilespmem:s16+$0xFFFFFE70] =	vst v5;
	v5 =	vmul.u32 $0xC00, v8  }
0x124: {  	[tilespmem:s16+$0xFFFFFE80] =	vst v6  }
0x125: {  	[tilespmem:v4+s20+$0x0] =	vst.idx.msk $0xfff, v7;
	v4 =	vadd.s32 $0xA80, v5  }
0x126: {  	v5 =	vld [tilespmem:s17+$0x80];
	v4 =	vbroadcast v4, $0x0  }
0x127: {  	v6 =	vld [tilespmem:s17+$0x90]  }
0x128: {  	v7 =	vld [tilespmem:s17+$0xA0];
	v4 =	vor.u32 v3, v4;
	_ =	sdelay $0x1  }
0x129: {  	s22 =	simm.s32 $0x6  }
0x12a: {  	[tilespmem:s16+$0xFFFFFEF0] =	vst v5;
	v5 =	vmov s22  }
0x12b: {  	[tilespmem:s16+$0xFFFFFF00] =	vst v6;
	v5 =	vshrl.u32 v5, $0x3  }
0x12c: {  	[tilespmem:v4+s20+$0x0] =	vst.idx.msk $0xfff, v7;
	v4 =	vmul.u32 $0xC00, v5;
	_ =	sdelay $0x1  }
0x12d: {  	v4 =	vadd.s32 $0xB00, v4  }
0x12e: {  	v8 =	vld [tilespmem:s17+$0x100];
	v6 =	vbroadcast v4, $0x0  }
0x12f: {  	s24 =	simm.s32 $0x7;
	v5 =	vld [tilespmem:s17+$0x110]  }
0x130: {  	v7 =	vmov s24;
	v4 =	vld [tilespmem:s17+$0x120];
	v6 =	vor.u32 v3, v6  }
0x131: {  	v7 =	vshrl.u32 v7, $0x3  }
0x132: {  	v7 =	vmul.u32 $0xC00, v7  }
0x133: {  	s18 =	simm.s32 $0x14600;
	s19 =	simm.s32 $0xF;
	s21 =	simm.s32 $0xCF90;
	[tilespmem:s16+$0xFFFFFF70] =	vst v8  }
.LBB2_5:
0x134: {  	p0 =	sne.s32 s19, $0x3F;
	[tilespmem:s16+$0xFFFFFF80] =	vst v5;
	v5 =	vadd.s32 $0xB80, v7;
	s21 =	sadd.s32 $0xC00, s21;
	s17 =	sadd.s32 $0x400, s17  }
0x135: {  	s22 =	smov.u32 s19;
	s19 =	sadd.s32 $0x8, s19;
	[tilespmem:v6+s20+$0x0] =	vst.idx.msk $0xfff, v4;
	v4 =	vbroadcast v5, $0x0  }
0x136: {  	s24 =	sadd.s32 $0xFFFFFFF9, s22;
	v5 =	vld [tilespmem:s18+$0x180]  }
0x137: {  	v6 =	vmov s24;
	v7 =	vld [tilespmem:s18+$0x190];
	v4 =	vor.u32 v3, v4  }
0x138: {  	v6 =	vshrl.u32 v6, $0x3;
	v8 =	vld [tilespmem:s18+$0x1A0];
	s18 =	smov.u32 s17  }
0x139: {  	v6 =	vmul.u32 $0xC00, v6;
	_ =	sdelay $0x1  }
0x13a: {  	v6 =	vadd.s32 $0x800, v6;
	[tilespmem:s16+$0xFFFFFFF0] =	vst v5  }
0x13b: {  	v5 =	vbroadcast v6, $0x0;
	[tilespmem:s16+$0x0] =	vst v7;
	s16 =	smov.u32 s21  }
0x13c: {  	[tilespmem:v4+s20+$0x0] =	vst.idx.msk $0xfff, v8  }
0x13d: {  	v5 =	vor.u32 v3, v5;
	v4 =	vld [tilespmem:s17+$0xFFFFFE00]  }
0x13e: {  	v6 =	vld [tilespmem:s17+$0xFFFFFE10]  }
0x13f: {  	s24 =	sadd.s32 $0xFFFFFFFA, s22;
	v7 =	vld [tilespmem:s17+$0xFFFFFE20]  }
0x140: {  	v8 =	vmov s24  }
0x141: {  	v8 =	vshrl.u32 v8, $0x3  }
0x142: {  	[tilespmem:s21+$0xFFFFFC70] =	vst v4;
	v4 =	vmul.u32 $0xC00, v8  }
0x143: {  	[tilespmem:s21+$0xFFFFFC80] =	vst v6  }
0x144: {  	[tilespmem:v5+s20+$0x0] =	vst.idx.msk $0xfff, v7;
	v4 =	vadd.s32 $0x880, v4  }
0x145: {  	v5 =	vld [tilespmem:s17+$0xFFFFFE80];
	v4 =	vbroadcast v4, $0x0  }
0x146: {  	v6 =	vld [tilespmem:s17+$0xFFFFFE90]  }
0x147: {  	s24 =	sadd.s32 $0xFFFFFFFB, s22;
	v7 =	vld [tilespmem:s17+$0xFFFFFEA0];
	v4 =	vor.u32 v3, v4  }
0x148: {  	v8 =	vmov s24  }
0x149: {  	v8 =	vshrl.u32 v8, $0x3  }
0x14a: {  	[tilespmem:s21+$0xFFFFFCF0] =	vst v5;
	v5 =	vmul.u32 $0xC00, v8  }
0x14b: {  	[tilespmem:s21+$0xFFFFFD00] =	vst v6  }
0x14c: {  	[tilespmem:v4+s20+$0x0] =	vst.idx.msk $0xfff, v7;
	v4 =	vadd.s32 $0x900, v5  }
0x14d: {  	v5 =	vld [tilespmem:s17+$0xFFFFFF00];
	v4 =	vbroadcast v4, $0x0  }
0x14e: {  	v6 =	vld [tilespmem:s17+$0xFFFFFF10]  }
0x14f: {  	s24 =	sadd.s32 $0xFFFFFFFC, s22;
	v7 =	vld [tilespmem:s17+$0xFFFFFF20];
	v4 =	vor.u32 v3, v4  }
0x150: {  	v8 =	vmov s24  }
0x151: {  	v8 =	vshrl.u32 v8, $0x3  }
0x152: {  	[tilespmem:s21+$0xFFFFFD70] =	vst v5;
	v5 =	vmul.u32 $0xC00, v8  }
0x153: {  	[tilespmem:s21+$0xFFFFFD80] =	vst v6  }
0x154: {  	[tilespmem:v4+s20+$0x0] =	vst.idx.msk $0xfff, v7;
	v4 =	vadd.s32 $0x980, v5  }
0x155: {  	v5 =	vld [tilespmem:s17+$0xFFFFFF80];
	v4 =	vbroadcast v4, $0x0  }
0x156: {  	v6 =	vld [tilespmem:s17+$0xFFFFFF90]  }
0x157: {  	s24 =	sadd.s32 $0xFFFFFFFD, s22;
	v7 =	vld [tilespmem:s17+$0xFFFFFFA0];
	v4 =	vor.u32 v3, v4  }
0x158: {  	v8 =	vmov s24  }
0x159: {  	v8 =	vshrl.u32 v8, $0x3  }
0x15a: {  	[tilespmem:s21+$0xFFFFFDF0] =	vst v5;
	v5 =	vmul.u32 $0xC00, v8  }
0x15b: {  	[tilespmem:s21+$0xFFFFFE00] =	vst v6  }
0x15c: {  	[tilespmem:v4+s20+$0x0] =	vst.idx.msk $0xfff, v7;
	v4 =	vadd.s32 $0xA00, v5  }
0x15d: {  	v5 =	vld [tilespmem:s17+$0x0];
	v4 =	vbroadcast v4, $0x0  }
0x15e: {  	v6 =	vld [tilespmem:s17+$0x10]  }
0x15f: {  	s24 =	sadd.s32 $0xFFFFFFFE, s22;
	v7 =	vld [tilespmem:s17+$0x20];
	v4 =	vor.u32 v3, v4  }
0x160: {  	v8 =	vmov s24  }
0x161: {  	v8 =	vshrl.u32 v8, $0x3  }
0x162: {  	[tilespmem:s21+$0xFFFFFE70] =	vst v5;
	v5 =	vmul.u32 $0xC00, v8  }
0x163: {  	[tilespmem:s21+$0xFFFFFE80] =	vst v6  }
0x164: {  	[tilespmem:v4+s20+$0x0] =	vst.idx.msk $0xfff, v7;
	v4 =	vadd.s32 $0xA80, v5  }
0x165: {  	v5 =	vld [tilespmem:s17+$0x80];
	v4 =	vbroadcast v4, $0x0  }
0x166: {  	v6 =	vld [tilespmem:s17+$0x90]  }
0x167: {  	s24 =	sadd.s32 $0xFFFFFFFF, s22;
	v7 =	vld [tilespmem:s17+$0xA0];
	v4 =	vor.u32 v3, v4  }
0x168: {  	v8 =	vmov s24  }
0x169: {  	v8 =	vshrl.u32 v8, $0x3  }
0x16a: {  	[tilespmem:s21+$0xFFFFFEF0] =	vst v5;
	v5 =	vmul.u32 $0xC00, v8  }
0x16b: {  	[tilespmem:s21+$0xFFFFFF00] =	vst v6  }
0x16c: {  	[tilespmem:v4+s20+$0x0] =	vst.idx.msk $0xfff, v7;
	v4 =	vadd.s32 $0xB00, v5  }
0x16d: {  	v8 =	vld [tilespmem:s17+$0x100];
	v6 =	vbroadcast v4, $0x0  }
.Ltmp1:
0x16e: {  	v5 =	vld [tilespmem:s17+$0x110];
	(pc) =	sbr.rel @p0 .LBB2_5-.Ltmp1, $4  }
0x16f: {  	v7 =	vmov s22;
	v4 =	vld [tilespmem:s17+$0x120];
	v6 =	vor.u32 v3, v6  }
0x170: {  	v7 =	vshrl.u32 v7, $0x3  }
0x171: {  	v7 =	vmul.u32 $0xC00, v7  }
0x172: {  	[tilespmem:s21+$0xFFFFFF70] =	vst v8  }
0x173: {  	_ =	sdelay $0x2  }
0x174: {  	[tilespmem:s16+$0xFFFFFF80] =	vst v5  }
0x175: {  	v5 =	vadd.s32 $0xB80, v7;
	[tilespmem:v6+s20+$0x0] =	vst.idx.msk $0xfff, v4  }
0x176: {  	v4 =	vbroadcast v5, $0x0;
	v5 =	vld [tilespmem:s18+$0x180]  }
0x177: {  	v6 =	vld [tilespmem:s18+$0x190]  }
0x178: {  	v63 =	vld [tilespmem:s18+$0x1A0];
	v4 =	vor.u32 v3, v4  }
0x179: {  	s15 =	sadd.s32 s15, s8  }
0x17a: {  	s15 =	sshrl.u32 s15, $0x3  }
0x17b: {  	s15 =	smul.u32 $0x180, s15;
	[tilespmem:s16+$0xFFFFFFF0] =	vst v5  }
0x17c: {  	[tilespmem:s16+$0x0] =	vst v6  }
0x17d: {  	p0 =	seq.s32 s14, $0xC7;
	s15 =	sadd.s32 s6, s15;
	[tilespmem:v4+s20+$0x0] =	vst.idx.msk $0xfff, v63  }
0x17e: {  	[hbm4b:s15+s3] =	stream.linear.scatter [tilespmem:s20], [sflag:$0x4], $0x6000, $0x38;
	[tilespmem:$0x16400] =	vst v63  }
0x17f: {  	s15 =	simm.s32 @!p0 $0x3  }
0x180: {  	_ =	swait.ge @!p0 [sflag:s15], $0x6000  }
0x181: {  	s16 =	sshll.u32 @!p0 s14, $0x7;
	[sflag:s15] =	ssyncset.done @!p0 $0x0  }
0x182: {  	[sflag:s15] =	ssyncadd.s32 @!p0 $0xFFFFA000;
	s15 =	sand.u32 @!p0 $0x3FFFFF80, s16  }
0x183: {  	v4 =	vld @!p0 [tilespmem:s15+$0x80];
	_ =	sdelay $0x4  }
0x184: {  	v5 =	vshrl.u32 @!p0 v4, $0x3  }
0x185: {  	v5 =	vmul.u32 @!p0 $0x18, v5  }
0x186: {  	v6 =	vlaneseq.u32 @!p0;
	v4 =	vand.u32 @!p0 $0x7, v4  }
0x187: {  	v7 =	vshrl.u32 @!p0 v6, $0x3;
	v4 =	vor.u32 @!p0 v4, v5;
	v5 =	vand.u32 @!p0 $0x7, v6  }
0x188: {  	v7 =	vmul.u32 @!p0 $0x8, v7;
	v8 =	vperm.xlane @!p0 v4, v5  }
0x189: {  	v6 =	vor.u32 @!p0 $0x8, v6  }
0x18a: {  	v4 =	vperm.xlane @!p0 v4, v6;
	v8 =	vadd.s32 @!p0 v7, v8;
	_ =	sdelay $0x1  }
0x18b: {  	v4 =	vadd.s32 @!p0 v7, v4;
	_ =	sdelay $0x1  }
0x18c: {  	vm1 =	vmmov @!p0 $0xffff;
	s17 =	simm.s32 @!p0 $0x6400;
	s16 =	simm.s32 @!p0 $0x0  }
0x18d: {  	[tilespmem:s17], [sflag:$0x1] =	stream.indirect_vreg.gather @!p0 [hbm4b:s2+s16], $0x80, v8, vm1, $0xb8;
	[tilespmem:$0x16400] =	vst v63  }
0x18e: {  	s17 =	simm.s32 @!p0 $0x7000  }
0x18f: {  	[tilespmem:s17], [sflag:$0x1] =	stream.indirect_vreg.gather @!p0 [hbm4b:s2+s16], $0x80, v4, vm1, $0xb8;
	[tilespmem:$0x16400] =	vst v63  }
0x190: {  	v4 =	vld @!p0 [tilespmem:s15+$0x90];
	_ =	sdelay $0x4  }
0x191: {  	v8 =	vshrl.u32 @!p0 v4, $0x3  }
0x192: {  	v8 =	vmul.u32 @!p0 $0x18, v8  }
0x193: {  	v4 =	vand.u32 @!p0 $0x7, v4  }
0x194: {  	v4 =	vor.u32 @!p0 v4, v8  }
0x195: {  	v8 =	vperm.xlane @!p0 v4, v5;
	_ =	sdelay $0x1  }
0x196: {  	v4 =	vperm.xlane @!p0 v4, v6;
	v8 =	vadd.s32 @!p0 v7, v8;
	_ =	sdelay $0x1  }
0x197: {  	v4 =	vadd.s32 @!p0 v7, v4;
	_ =	sdelay $0x1  }
0x198: {  	s17 =	simm.s32 @!p0 $0x7C00  }
0x199: {  	[tilespmem:s17], [sflag:$0x1] =	stream.indirect_vreg.gather @!p0 [hbm4b:s2+s16], $0x80, v8, vm1, $0xb8;
	[tilespmem:$0x16400] =	vst v63  }
0x19a: {  	s17 =	simm.s32 @!p0 $0x8800  }
0x19b: {  	[tilespmem:s17], [sflag:$0x1] =	stream.indirect_vreg.gather @!p0 [hbm4b:s2+s16], $0x80, v4, vm1, $0xb8;
	[tilespmem:$0x16400] =	vst v63  }
0x19c: {  	v4 =	vld @!p0 [tilespmem:s15+$0xA0];
	_ =	sdelay $0x4  }
0x19d: {  	v8 =	vshrl.u32 @!p0 v4, $0x3  }
0x19e: {  	v8 =	vmul.u32 @!p0 $0x18, v8  }
0x19f: {  	v4 =	vand.u32 @!p0 $0x7, v4  }
0x1a0: {  	v4 =	vor.u32 @!p0 v4, v8  }
0x1a1: {  	v8 =	vperm.xlane @!p0 v4, v5;
	_ =	sdelay $0x1  }
0x1a2: {  	v4 =	vperm.xlane @!p0 v4, v6;
	v8 =	vadd.s32 @!p0 v7, v8;
	_ =	sdelay $0x1  }
0x1a3: {  	v4 =	vadd.s32 @!p0 v7, v4;
	_ =	sdelay $0x1  }
0x1a4: {  	s17 =	simm.s32 @!p0 $0x9400  }
0x1a5: {  	[tilespmem:s17], [sflag:$0x1] =	stream.indirect_vreg.gather @!p0 [hbm4b:s2+s16], $0x80, v8, vm1, $0xb8;
	[tilespmem:$0x16400] =	vst v63  }
0x1a6: {  	s17 =	simm.s32 @!p0 $0xA000  }
0x1a7: {  	[tilespmem:s17], [sflag:$0x1] =	stream.indirect_vreg.gather @!p0 [hbm4b:s2+s16], $0x80, v4, vm1, $0xb8;
	[tilespmem:$0x16400] =	vst v63  }
0x1a8: {  	v4 =	vld @!p0 [tilespmem:s15+$0xB0];
	_ =	sdelay $0x4  }
0x1a9: {  	v8 =	vshrl.u32 @!p0 v4, $0x3  }
0x1aa: {  	v8 =	vmul.u32 @!p0 $0x18, v8  }
0x1ab: {  	v4 =	vand.u32 @!p0 $0x7, v4  }
0x1ac: {  	v4 =	vor.u32 @!p0 v4, v8  }
0x1ad: {  	v8 =	vperm.xlane @!p0 v4, v5;
	_ =	sdelay $0x1  }
0x1ae: {  	v4 =	vperm.xlane @!p0 v4, v6;
	v8 =	vadd.s32 @!p0 v7, v8;
	_ =	sdelay $0x1  }
0x1af: {  	v4 =	vadd.s32 @!p0 v7, v4;
	_ =	sdelay $0x1  }
0x1b0: {  	s17 =	simm.s32 @!p0 $0xAC00  }
0x1b1: {  	[tilespmem:s17], [sflag:$0x1] =	stream.indirect_vreg.gather @!p0 [hbm4b:s2+s16], $0x80, v8, vm1, $0xb8;
	[tilespmem:$0x16400] =	vst v63  }
0x1b2: {  	s17 =	simm.s32 @!p0 $0xB800  }
0x1b3: {  	[tilespmem:s17], [sflag:$0x1] =	stream.indirect_vreg.gather @!p0 [hbm4b:s2+s16], $0x80, v4, vm1, $0xb8;
	[tilespmem:$0x16400] =	vst v63  }
0x1b4: {  	s19 =	simm.s32 @!p0 $0x12400;
	s18 =	simm.s32 @!p0 $0x40;
	s17 =	sadd.s32 @!p0 $0x80, s15  }
0x1b5: {  	[tilespmem:s19], [sflag:$0x1] =	stream.indirect.gather @!p0 [hbm4b:s5+s18], $0x80, s17, s18, $0xb8;
	[tilespmem:$0x16400] =	vst v63  }
0x1b6: {  	s17 =	simm.s32 @!p0 $0x4  }
0x1b7: {  	_ =	swait.ge @!p0 [sflag:s17], $0x6000  }
0x1b8: {  	[sflag:s17] =	ssyncset.done @!p0 $0x0  }
0x1b9: {  	[sflag:s17] =	ssyncadd.s32 @!p0 $0xFFFFA000  }
0x1ba: {  	v4 =	vld @!p0 [tilespmem:s15+$0xC0];
	_ =	sdelay $0x4  }
0x1bb: {  	v8 =	vshrl.u32 @!p0 v4, $0x3  }
0x1bc: {  	v8 =	vmul.u32 @!p0 $0x18, v8  }
0x1bd: {  	v4 =	vand.u32 @!p0 $0x7, v4  }
0x1be: {  	v4 =	vor.u32 @!p0 v4, v8  }
0x1bf: {  	v8 =	vperm.xlane @!p0 v4, v5;
	_ =	sdelay $0x1  }
0x1c0: {  	v4 =	vperm.xlane @!p0 v4, v6;
	v8 =	vadd.s32 @!p0 v7, v8;
	_ =	sdelay $0x1  }
0x1c1: {  	v4 =	vadd.s32 @!p0 v7, v4;
	_ =	sdelay $0x1  }
0x1c2: {  	s17 =	simm.s32 @!p0 $0xC400  }
0x1c3: {  	[tilespmem:s17], [sflag:$0x2] =	stream.indirect_vreg.gather @!p0 [hbm4b:s2+s16], $0x80, v8, vm1, $0xb8;
	[tilespmem:$0x16400] =	vst v63  }
0x1c4: {  	s17 =	simm.s32 @!p0 $0xD000  }
0x1c5: {  	[tilespmem:s17], [sflag:$0x2] =	stream.indirect_vreg.gather @!p0 [hbm4b:s2+s16], $0x80, v4, vm1, $0xb8;
	[tilespmem:$0x16400] =	vst v63  }
0x1c6: {  	v4 =	vld @!p0 [tilespmem:s15+$0xD0];
	_ =	sdelay $0x4  }
0x1c7: {  	v8 =	vshrl.u32 @!p0 v4, $0x3  }
0x1c8: {  	v8 =	vmul.u32 @!p0 $0x18, v8  }
0x1c9: {  	v4 =	vand.u32 @!p0 $0x7, v4  }
0x1ca: {  	v4 =	vor.u32 @!p0 v4, v8  }
0x1cb: {  	v8 =	vperm.xlane @!p0 v4, v5;
	_ =	sdelay $0x1  }
0x1cc: {  	v4 =	vperm.xlane @!p0 v4, v6;
	v8 =	vadd.s32 @!p0 v7, v8;
	_ =	sdelay $0x1  }
0x1cd: {  	v4 =	vadd.s32 @!p0 v7, v4;
	_ =	sdelay $0x1  }
0x1ce: {  	s17 =	simm.s32 @!p0 $0xDC00  }
0x1cf: {  	[tilespmem:s17], [sflag:$0x2] =	stream.indirect_vreg.gather @!p0 [hbm4b:s2+s16], $0x80, v8, vm1, $0xb8;
	[tilespmem:$0x16400] =	vst v63  }
0x1d0: {  	s17 =	simm.s32 @!p0 $0xE800  }
0x1d1: {  	[tilespmem:s17], [sflag:$0x2] =	stream.indirect_vreg.gather @!p0 [hbm4b:s2+s16], $0x80, v4, vm1, $0xb8;
	[tilespmem:$0x16400] =	vst v63  }
0x1d2: {  	v4 =	vld @!p0 [tilespmem:s15+$0xE0];
	_ =	sdelay $0x4  }
0x1d3: {  	v8 =	vshrl.u32 @!p0 v4, $0x3  }
0x1d4: {  	v8 =	vmul.u32 @!p0 $0x18, v8  }
0x1d5: {  	v4 =	vand.u32 @!p0 $0x7, v4  }
0x1d6: {  	v4 =	vor.u32 @!p0 v4, v8  }
0x1d7: {  	v8 =	vperm.xlane @!p0 v4, v5;
	_ =	sdelay $0x1  }
0x1d8: {  	v4 =	vperm.xlane @!p0 v4, v6;
	v8 =	vadd.s32 @!p0 v7, v8;
	_ =	sdelay $0x1  }
0x1d9: {  	v4 =	vadd.s32 @!p0 v7, v4;
	_ =	sdelay $0x1  }
0x1da: {  	s17 =	simm.s32 @!p0 $0xF400  }
0x1db: {  	[tilespmem:s17], [sflag:$0x2] =	stream.indirect_vreg.gather @!p0 [hbm4b:s2+s16], $0x80, v8, vm1, $0xb8;
	[tilespmem:$0x16400] =	vst v63  }
0x1dc: {  	s17 =	simm.s32 @!p0 $0x10000  }
0x1dd: {  	[tilespmem:s17], [sflag:$0x2] =	stream.indirect_vreg.gather @!p0 [hbm4b:s2+s16], $0x80, v4, vm1, $0xb8;
	[tilespmem:$0x16400] =	vst v63  }
0x1de: {  	v4 =	vld @!p0 [tilespmem:s15+$0xF0];
	_ =	sdelay $0x4  }
0x1df: {  	v8 =	vshrl.u32 @!p0 v4, $0x3  }
0x1e0: {  	v8 =	vmul.u32 @!p0 $0x18, v8  }
0x1e1: {  	v4 =	vand.u32 @!p0 $0x7, v4  }
0x1e2: {  	v4 =	vor.u32 @!p0 v4, v8  }
0x1e3: {  	v5 =	vperm.xlane @!p0 v4, v5;
	_ =	sdelay $0x1  }
0x1e4: {  	v4 =	vperm.xlane @!p0 v4, v6;
	v5 =	vadd.s32 @!p0 v7, v5;
	_ =	sdelay $0x1  }
0x1e5: {  	v4 =	vadd.s32 @!p0 v7, v4;
	_ =	sdelay $0x1  }
0x1e6: {  	s17 =	simm.s32 @!p0 $0x10C00  }
0x1e7: {  	[tilespmem:s17], [sflag:$0x2] =	stream.indirect_vreg.gather @!p0 [hbm4b:s2+s16], $0x80, v5, vm1, $0xb8;
	[tilespmem:$0x16400] =	vst v63  }
0x1e8: {  	s14 =	sadd.s32 @!p0 $0x1, s14;
	s17 =	simm.s32 @!p0 $0x11800  }
0x1e9: {  	[tilespmem:s17], [sflag:$0x2] =	stream.indirect_vreg.gather @!p0 [hbm4b:s2+s16], $0x80, v4, vm1, $0xb8;
	[tilespmem:$0x16400] =	vst v63  }
0x1ea: {  	p1 =	sne.s32 @!p0 s14, $0xC8;
	s15 =	sadd.s32 @!p0 $0xC0, s15;
	s16 =	simm.s32 @!p0 $0x14400  }
0x1eb: {  	[tilespmem:s16], [sflag:$0x2] =	stream.indirect.gather @!p0 [hbm4b:s5+s18], $0x80, s15, s18, $0xb8;
	[tilespmem:$0x16400] =	vst v63  }
0x1ec: {  	p0 =	por p0, !p1  }
.Ltmp2:
0x1ed: {  	_ = 	snop;
	(pc) =	sbr.rel @!p0 .LBB2_2-.Ltmp2, $1  }
0x1ee: {  	_ =	sdelay $0x3  }
0x1ef: {  	s13 =	sadd.s32 $0x1, s13  }
0x1f0: {  	_ =	swait.ge [sflag:s0], $0x6000;
	p0 =	sne.s32 s13, s9  }
.Ltmp3:
0x1f1: {  	[sflag:s0] =	ssyncset.done $0x0;
	(pc) =	sbr.rel @p0 .LBB2_1-.Ltmp3, $4  }
0x1f2: {  	[sflag:s0] =	ssyncadd.s32 $0xFFFFA000  }
0x1f3: {  	_ =	swait.ge [sflag:s12], $0x6000  }
0x1f4: {  	[sflag:s12] =	ssyncset.done $0x0  }
0x1f5: {  	[sflag:s12] =	ssyncadd.s32 $0xFFFFA000  }
0x1f6: {  	_ =	sfence.sel $0x180000  }
0x1f7: {  	[bflag:$0x0] =	sbarrier.arrive $0xFFFF  }
0x1f8: {  	_ =	strace $0x90000047  }
0x1f9: {  	s0 =	stileid.u32;
	[bflag:$0x2] =	sbarrier.arrive $0xFFFF  }
0x1fa: {  	p0 =	sne.s32 s0, $0x0;
	s0 =	rddreg [dreg:$0x2]  }
0x1fb: {  	s0 =	sadd.s32 @!p0 $0x100000, s0  }
0x1fc: {  	[sflag:s0] =	ssyncadd.tile.s32 @!p0 $0x1;
	_ =	shalt  }
.Lfunc_end2:
_tile_overlayer_lowered:
.L_overlay_start_2:
0x1fd: {  	(tag) =	ssettag $0x2  }
0x1fe: {  	s0 =	rddreg [dreg:$0x0];
	s2 =	stileid.u32  }
0x1ff: {  	s1 =	rddreg [dreg:$0x1];
	p0 =	sne.s32 s2, $0x0  }
0x200: {  	s3 =	rddreg [dreg:$0x2];
	[bflag:$0x3] =	sbarrier.arrive $0xFFFF;
	s2 =	simm.s32 @!p0 $0x1C05  }
0x201: {  	[timem:s3], [sflag:s2] =	dma.local @!p0 [hbm:s0], s1  }
0x202: {  	s0 =	simm.s32 @!p0 $0x5  }
0x203: {  	_ =	swait.ge @!p0 [sflag:s0], s1  }
0x204: {  	s1 =	ssub.s32 @!p0 $0x0, s1;
	[sflag:s0] =	ssyncset.done @!p0 $0x0  }
0x205: {  	[sflag:s0] =	ssyncadd.s32 @!p0 s1  }
0x206: {  	[bflag:$0x3] =	sbarrier.arrive $0xFFFF  }
0x207: {  	_ =	shalt  }

// kernel: sparse-core-data-format-call.cloned.1.call-start
scs
called_computation_lowered:
.L_overlay_start_0:
0x0: {  	s2 =	sld [smem:$0x3FD9]  }
0x1: {  	s3 =	sld [smem:$0x3FFE];
	_ =	sdelay $0x1  }
0x2: {  	s1 =	srdreg.scid  }
0x3: {  	s0 =	sand.u32 $0x1, s1  }
0x4: {  	s18 =	sshll.u32 s0, $0xA;
	s2 =	sadd.s32 s3, s2  }
0x5: {  	s2 =	sadd.s32 s2, s18  }
0x6: {  	[smem:$0x3FC6] =	sst s2  }
0x7: {  	_ = 	snop  }
0x8: {  	s2 =	sld [smem:$0x3FD0];
	(tm) =	ssettm $0x1  }
0x9: {  	s19 =	sld [smem:$0x3FFB];
	_ =	sdelay $0x3  }
0xa: {  	_ =	strace s19  }
0xb: {  	s3 =	sld [smem:$0x3FFC];
	_ =	sdelay $0x3  }
0xc: {  	_ =	strace s3  }
0xd: {  	s3 =	sld [smem:$0x3FFD];
	_ =	sdelay $0x3  }
0xe: {  	_ =	strace s3  }
0xf: {  	_ =	strace $0x8FFFFFFF  }
0x10: {  	s20 =	sld [smem:$0x3FDB];
	_ =	sdelay $0x1  }
0x11: {  	s4 =	simm.s32 $_scs_section_size  }
0x12: {  	s5 =	simm.s32 $_size__tile_overlayer_lowered;
	s6 =	simm.s32 $_tile_overlayer_lowered  }
0x13: {  	s23 =	simm.s32 $0x1BFF;
	s22 =	sshll.u32 s6, $0x1;
	s3 =	sadd.s32 s4, s20  }
0x14: {  	s7 =	simm.s32 $0x0;
	s21 =	sshll.u32 s5, $0x1;
	s5 =	sadd.s32 s22, s3  }
0x15: {  	[timem:s7], [sflag:s23] =	dma.local [hbm:s5], s21  }
0x16: {  	_ =	swait.ge [sflag:s23], s21  }
0x17: {  	s4 =	ssub.s32 $0x0, s21;
	[sflag:s23] =	ssyncset.done $0x0  }
0x18: {  	[sflag:s23] =	ssyncadd.s32 s4;
	_ =	sdelay $0x1  }
0x19: {  	s24 =	simm.s32 $0x1B8B  }
0x1a: {  	_ =	swait.ge [sflag:s24], $0x1  }
0x1b: {  	[sflag:s24] =	ssyncset.done $0x0  }
0x1c: {  	s26 =	simm.s32 $0x1B8E;
	s25 =	sld [smem:$0x3FFE];
	[sflag:s24] =	ssyncadd.s32 $0xFFFFFFFF  }
0x1d: {  	s27 =	simm.s32 $execute0_lowered;
	[smem:$0x3FD2] =	sst s26  }
0x1e: {  	s5 =	sshll.u32 s27, $0x1;
	_ =	strace $0x80000049;
	[dreg:$0x1] =	wrdreg $0xFFFFFFFF  }
0x1f: {  	s28 =	simm.s32 $_size_execute0_lowered;
	s3 =	sadd.s32 s3, s5;
	[dreg:$0x0] =	wrdreg $0x0  }
0x20: {  	s5 =	sshll.u32 s28, $0x1;
	[dreg:$0x2] =	wrdreg s3  }
0x21: {  	[dreg:$0x3] =	wrdreg s5  }
0x22: {  	[dreg:$0x4] =	wrdreg $0xC0  }
0x23: {  	_ =	task [dreg:s7], $0x5FFFF  }
0x24: {  	[dreg:$0x1] =	wrdreg $0xFFFFFFFF  }
0x25: {  	[dreg:$0x0] =	wrdreg $0x60  }
0x26: {  	[dreg:$0x2] =	wrdreg s25  }
0x27: {  	[dreg:$0x3] =	wrdreg s2  }
0x28: {  	[dreg:$0x4] =	wrdreg $0x9  }
0x29: {  	_ =	task.clear_ibuf [dreg:s7], $0x5FFFF;
	_ =	strace $0x90000049  }
0x2a: {  	s29 =	simm.s32 $0x9;
	_ =	strace $0x8000004B  }
0x2b: {  	_ =	swait.ge [sflag:s29], $0x1  }
0x2c: {  	[sflag:s29] =	ssyncadd.s32 $0xFFFFFFFF  }
0x2d: {  	_ =	strace $0x9000004B  }
0x2e: {  	_ =	sfence  }
0x2f: {  	s30 =	sld [smem:$0x0];
	_ =	sdelay $0x2  }
0x30: {  	s31 =	sshll.u32 s1, $0xD;
	s1 =	sshrl.u32 s1, $0x2  }
0x31: {  	s3 =	sand.u32 $0x4000, s31;
	s1 =	sadd.s32 s1, s30  }
0x32: {  	s0 =	sor.u32 s3, s0;
	s1 =	sshll.u32 s1, $0x11  }
0x33: {  	s0 =	sor.u32 s1, s0  }
0x34: {  	s0 =	sadd.s32 $0x8F2B, s0  }
0x35: {  	[sflag:s0] =	ssyncadd.remote.s32 $0x1  }
0x36: {  	_ =	sfence.sel $0xFFFF  }
0x37: {  	[dreg:$0x0] =	wrdreg $0xFFFFFFFF;
	(pc) =	sbr.abs _section_cstart, $3  }
0x38: {  	[dreg:$0x1] =	wrdreg $0xFFFFFFFF  }
0x39: {  	_ =	task.clear_ibuf [dreg:s7], $0x2FFFF;
	_ =	strace $0x9FFFFFFF  }
0x3a: {  	(tm) =	ssettm $0x7FFFFFFF  }
0x3b: {  	_ =	shalt  }
tec
execute0_lowered:
.L_overlay_start_1:
0x0: {  	(tag) =	ssettag $0x1  }
0x1: {  	s0 =	srdreg.scid;
	s6 =	rddreg [dreg:$0x0]  }
0x2: {  	s3 =	rddreg [dreg:$0x1];
	s1 =	sshll.u32 s0, $0x4  }
0x3: {  	s5 =	simm.s32 $0x1;
	s0 =	stileid.u32;
	s1 =	sand.u32 $0x10, s1  }
0x4: {  	s31 =	simm.s32 $0x2;
	s18 =	simm.s32 $0x0;
	s1 =	sor.u32 s0, s1  }
0x5: {  	s8 =	simm.s32 $0xC8000;
	s17 =	simm.s32 $0x0;
	s2 =	sshll.u32 s1, $0x7  }
0x6: {  	s16 =	simm.s32 $0x0;
	s9 =	simm.s32 $0x0;
	s4 =	ssub.s32 $0x1000, s2  }
0x7: {  	s10 =	simm.s32 $0x0;
	s11 =	simm.s32 $0x0;
	s30 =	sand.u32 $0xF80, s4  }
0x8: {  	s12 =	simm.s32 $0x0;
	s13 =	simm.s32 $0x0;
	p0 =	sne.s32 s30, $0x0  }
.Ltmp0:
0x9: {  	s7 =	sshrl.u32 s4, $0xC;
	s5 =	simm.s32 @!p0 $0x0;
	(pc) =	sbr.rel .LBB1_1-.Ltmp0, $4  }
0xa: {  	s15 =	simm.s32 $0x0;
	s1 =	rddreg [dreg:$0x2];
	s5 =	sadd.s32 s5, s7  }
0xb: {  	_ =	strace $0x8000004A;
	s4 =	simm.s32 $0x1;
	s5 =	smul.u32 $0x258, s5  }
0xc: {  	s6 =	sadd.s32 $0x326C00, s6;
	s14 =	smov.u32 s2;
	[sflag:s4] =	ssyncpa.u1 $0x0  }
0xd: {  	[sflag:s31] =	ssyncpa.u1 $0x0;
	p0 =	por $0x0, $0x0;
	s7 =	sor.u32 $0x1, s5  }
.LBB1_4:
0xe: {  	s23 =	sshra.s32 s23, $0x2;
	s24 =	sshll.u32 s10, $0xC  }
0xf: {  	p1 =	sgt.s32 s10, $0xC7;
	s26 =	smov.u32 s10;
	s27 =	sshra.s32 s10, $0x1F  }
0x10: {  	s28 =	smov.u32 s9;
	s29 =	sshra.s32 s11, $0x1F;
	s22 =	sadd.s32 s23, s22  }
0x11: {  	s30 =	sand.u32 $0xFFFF8000, s24;
	s24 =	sshll.u32 s11, $0x3;
	s26 =	simm.s32 @!p1 $0xC7  }
0x12: {  	p1 =	sgt.s32 s9, $0xAC;
	s27 =	sand.u32 s27, s10;
	s31 =	sand.u32 s29, s11  }
0x13: {  	s29 =	sshll.u32 s10, $0x7;
	s25 =	sand.u32 $0xFFFFFC00, s24;
	s28 =	simm.s32 @!p1 $0xAC  }
0x14: {  	p1 =	sgt.s32 s11, $0xF80;
	s23 =	sadd.s32 s25, s30;
	s25 =	ssub.s32 s26, s27  }
0x15: {  	[tilespmem:s21+$0x2040 ss:$0x81] =	vst.msk $0xffff, v4;
	s27 =	smov.u32 s11;
	s30 =	sshra.s32 s9, $0x1F;
	s26 =	sadd.s32 $0xFFFFFF39, s25  }
0x16: {  	v5 =	vld [tilespmem:s20+$0xFFFFFFD0];
	[tilespmem:s21+$0x2850 ss:$0x81] =	vst.msk $0xffff, v3;
	s27 =	simm.s32 @!p1 $0xF80;
	s23 =	sshrl.u32 s23, $0xC;
	s25 =	ssub.s32 $0xC8, s25  }
0x17: {  	v58 =	vld [tilespmem:s20+$0xFFFFFFE0];
	[tilespmem:s21+$0x3060 ss:$0x81] =	vst.msk $0xffff, v2;
	p1 =	sgt.s32 s26, $0x0;
	s26 =	ssub.s32 s27, s31;
	s27 =	sand.u32 s30, s9  }
0x18: {  	v59 =	vld [tilespmem:s20+$0xFFFFFFF0];
	[tilespmem:s21+$0x0 ss:$0x81] =	vst.msk $0xffff, v1;
	s21 =	smulhi.u32 $0x147AE15, s23;
	s30 =	sand.u32 $0x78, s11;
	s27 =	ssub.s32 s28, s27  }
0x19: {  	v60 =	vld [tilespmem:s20+$0x0];
	s25 =	simm.s32 @p1 $0x0;
	s31 =	sadd.s32 $0xFFFFF080, s26;
	s26 =	ssub.s32 $0x1000, s26  }
0x1a: {  	v61 =	vld [tilespmem:s20+$0x10];
	[tilespmem:s22+$0x3870 ss:$0x81] =	vst.msk $0xffff, v0;
	p1 =	sgt.s32 s31, $0x7F;
	s28 =	sadd.s32 $0xFFFFFF54, s27;
	s31 =	sand.u32 $0x380, s29  }
0x1b: {  	v62 =	vld [tilespmem:s20+$0x20];
	[tilespmem:s22+$0x810 ss:$0x81] =	vst.msk $0xffff, v5;
	s29 =	sand.u32 $0xC00, s24;
	s21 =	smul.u32 $0xC8, s21;
	s24 =	ssub.s32 $0x12C, s27  }
0x1c: {  	v63 =	vld [tilespmem:s20+$0xFFFFFFC0];
	[tilespmem:s22+$0x1020 ss:$0x81] =	vst.msk $0xffff, v58;
	s26 =	simm.s32 @p1 $0x0;
	s20 =	sor.u32 s30, s29;
	s30 =	smul.u32 $0x19000, s9  }
0x1d: {  	[tilespmem:s22+$0x1830 ss:$0x81] =	vst.msk $0xffff, v59;
	p1 =	sgt.s32 s28, $0x7F;
	s28 =	sand.u32 $0x7, s11;
	s25 =	smul.u32 s26, s25  }
0x1e: {  	[tilespmem:s22+$0x2040 ss:$0x81] =	vst.msk $0xffff, v60;
	s24 =	simm.s32 @p1 $0x0;
	s20 =	sor.u32 s31, s20;
	s21 =	ssub.s32 s23, s21  }
0x1f: {  	[tilespmem:s22+$0x2850 ss:$0x81] =	vst.msk $0xffff, v61;
	s20 =	sshrl.u32 s20, $0x3;
	s27 =	sadd.s32 s3, s30;
	s31 =	smul.u32 s24, s25  }
0x20: {  	[tilespmem:s22+$0x3060 ss:$0x81] =	vst.msk $0xffff, v62;
	s29 =	sshll.u32 s28, $0x12;
	s21 =	sshll.u32 s21, $0x9;
	s20 =	sadd.s32 s20, s27  }
0x21: {  	[tilespmem:s22+$0x0 ss:$0x81] =	vst.msk $0xffff, v63;
	s20 =	sadd.s32 s21, s20;
	s30 =	sand.u32 $0x3FFFFFFF, s31;
	s31 =	sor.u32 $0x80, s29  }
0x22: {  	[hbm4b:s20+s31] =	stream.strided.scatter [tilespmem:s19], [sflag:$0x2], s30, s8, s31, $0x20;
	[tilespmem:$0x10100] =	vst v63  }
.LBB1_5:
0x23: {  	p1 =	slt.u32 s15, $0x2  }
0x24: {  	p2 =	sgt.s32 @!p1 s18, $0xAC  }
0x25: {  	s19 =	smov.u32 s18;
	s20 =	sshra.s32 @!p1 s18, $0x1F;
	p2 =	por !p2, p1  }
0x26: {  	s18 =	sand.u32 @!p1 s20, s18;
	s19 =	simm.s32 @p2 $0xAC  }
0x27: {  	s20 =	sshra.s32 @!p1 s17, $0x1F;
	p2 =	sgt.s32 @!p1 s17, $0xC7;
	s18 =	ssub.s32 @!p1 s19, s18  }
0x28: {  	p2 =	por !p2, p1;
	s19 =	smov.u32 s17;
	s17 =	sand.u32 @!p1 s20, s17  }
0x29: {  	s20 =	sshra.s32 @!p1 s16, $0x1F;
	s19 =	simm.s32 @p2 $0xC7;
	p2 =	sgt.s32 @!p1 s16, $0xF80  }
0x2a: {  	s17 =	ssub.s32 @!p1 s19, s17;
	p2 =	por !p2, p1;
	s19 =	smov.u32 s16  }
0x2b: {  	s16 =	sand.u32 @!p1 s20, s16;
	s20 =	sadd.s32 @!p1 $0xFFFFFF39, s17;
	s19 =	simm.s32 @p2 $0xF80  }
0x2c: {  	p2 =	sgt.s32 @!p1 s20, $0x0;
	s16 =	ssub.s32 @!p1 s19, s16  }
0x2d: {  	s17 =	ssub.s32 @!p1 $0xC8, s17;
	p2 =	por !p2, p1;
	s19 =	sadd.s32 @!p1 $0xFFFFF080, s16  }
0x2e: {  	s17 =	simm.s32 @!p2 $0x0;
	p2 =	sgt.s32 @!p1 s19, $0x7F  }
0x2f: {  	s21 =	smov.u32 s14;
	s16 =	ssub.s32 @!p1 $0x1000, s16;
	p2 =	por !p2, p1  }
0x30: {  	s20 =	sadd.s32 @!p1 $0xFFFFFF54, s18;
	s19 =	sadd.s32 $0x80, s12;
	s16 =	simm.s32 @!p2 $0x0  }
0x31: {  	p2 =	sgt.s32 s19, $0x12B;
	s16 =	smul.u32 @!p1 s16, s17;
	s17 =	simm.s32 $0x1  }
0x32: {  	p0 =	por !p0, !p0;
	p3 =	sgt.s32 @!p1 s20, $0x7F;
	s17 =	simm.s32 @!p2 $0x0  }
0x33: {  	s18 =	ssub.s32 @!p1 $0x12C, s18;
	p3 =	por !p3, p1;
	s20 =	sadd.s32 s17, s13  }
0x34: {  	s18 =	simm.s32 @!p3 $0x0;
	s17 =	sadd.s32 $0x1000, s14;
	p3 =	sgt.s32 s20, $0xC7  }
0x35: {  	s22 =	simm.s32 @!p1 $0x2;
	s19 =	simm.s32 @p2 $0x0;
	s21 =	smov.u32 @p3 s17  }
0x36: {  	s16 =	smul.u32 @!p1 s18, s16;
	s18 =	smov.u32 s9;
	p2 =	sgt.s32 s21, $0xFFF  }
0x37: {  	s9 =	smov.u32 s12;
	s21 =	smov.u32 @p2 s2;
	p2 =	sne.s32 s15, s7  }
.Ltmp1:
0x38: {  	s12 =	smov.u32 s19;
	s16 =	sand.u32 @!p1 $0x3FFFFFFF, s16;
	(pc) =	sbr.rel @!p2 .LBB1_6-.Ltmp1, $4  }
0x39: {  	s20 =	simm.s32 @p3 $0x0;
	s17 =	smov.u32 s10;
	s10 =	smov.u32 s13  }
0x3a: {  	_ =	swait.ge @!p1 [sflag:s22], s16;
	s23 =	ssub.s32 @!p1 $0x0, s16;
	s16 =	smov.u32 s11  }
0x3b: {  	s11 =	smov.u32 s14;
	s13 =	smov.u32 s20;
	[sflag:s22] =	ssyncset.done @!p1 $0x0  }
0x3c: {  	s15 =	sadd.s32 $0x1, s15;
	[sflag:s22] =	ssyncadd.s32 @!p1 s23;
	s14 =	smov.u32 s21  }
.LBB1_1:
0x3d: {  	p1 =	sge.u32 s15, s5  }
0x3e: {  	s19 =	sshrl.u32 @!p1 s13, $0x3  }
0x3f: {  	s20 =	sshll.u32 @!p1 s12, $0x3;
	s19 =	smul.u32 @!p1 $0xC00, s19  }
0x40: {  	s21 =	sshll.u32 @!p1 s13, $0x7;
	s20 =	sand.u32 @!p1 $0xFFFFFC00, s20  }
0x41: {  	s19 =	sadd.s32 @!p1 s19, s20;
	s20 =	sand.u32 @!p1 $0x380, s21  }
0x42: {  	s19 =	sor.u32 @!p1 s20, s19  }
0x43: {  	s20 =	sand.u32 @!p1 $0x7F, s12;
	s21 =	smulhi.u32 @!p1 $0xAAAAAAAB, s19  }
0x44: {  	s19 =	sor.u32 @!p1 s20, s19  }
0x45: {  	s20 =	smulhi.u32 @!p1 $0xAAAAAAAB, s19;
	s21 =	sshrl.u32 @!p1 s21, $0x8  }
0x46: {  	s22 =	smulhi.u32 @!p1 $0x147AE15, s21;
	_ =	sdelay $0x1  }
0x47: {  	s20 =	sshrl.u32 @!p1 s20, $0x8;
	s22 =	smul.u32 @!p1 $0xC8, s22  }
0x48: {  	s31 =	sadd.s32 $0xFFFFFFFF, s15;
	s20 =	smul.u32 @!p1 $0x180, s20  }
0x49: {  	s23 =	sxor.u32 @!p1 $0xFFFFFFFF, s15;
	s21 =	ssub.s32 @!p1 s21, s22;
	s22 =	smul.u32 @!p1 $0x2580, s14  }
0x4a: {  	s23 =	sshll.u32 @!p1 s23, $0xE;
	s19 =	ssub.s32 @!p1 s19, s20;
	s20 =	smul.u32 @!p1 $0x30, s21  }
0x4b: {  	s21 =	sand.u32 @!p1 $0x4000, s23;
	s23 =	sand.u32 @!p1 $0x7, s19;
	s22 =	sadd.s32 @!p1 s6, s22  }
0x4c: {  	s19 =	sshrl.u32 @!p1 s19, $0x3;
	s20 =	sadd.s32 @!p1 s20, s22;
	s22 =	sshll.u32 @!p1 s23, $0x12  }
0x4d: {  	s19 =	sadd.s32 @!p1 s19, s20;
	s20 =	sor.u32 @!p1 $0x80, s22;
	s22 =	simm.s32 @!p1 $0x12C00  }
0x4e: {  	[tilespmem:s21], [sflag:$0x1] =	stream.strided.gather @!p1 [hbm4b:s19+s20], $0x4000, s22, s20, $0x38;
	[tilespmem:$0x10100] =	vst v63  }
0x4f: {  	p1 =	sge.u32 s31, s5  }
.Ltmp2:
0x50: {  	_ = 	snop;
	(pc) =	sbr.rel @p1 .LBB1_5-.Ltmp2, $1  }
0x51: {  	_ =	sdelay $0x3  }
0x52: {  	s19 =	simm.s32 $0x1  }
0x53: {  	_ =	swait.ge [sflag:s4], $0x4000;
	s19 =	simm.s32 @!p0 $0x0  }
0x54: {  	[sflag:s4] =	ssyncset.done $0x0;
	s20 =	sshll.u32 s19, $0xE  }
0x55: {  	[sflag:s4] =	ssyncadd.s32 $0xFFFFC000;
	s20 =	sor.u32 $0x40, s20  }
0x56: {  	s19 =	smul.u32 $0x10200, s19;
	v0 =	vld [tilespmem:s20+$0x30]  }
0x57: {  	v1 =	vld [tilespmem:s20+$0xFFFFFFD0]  }
0x58: {  	s19 =	sshrl.u32 s19, $0x2;
	v5 =	vld [tilespmem:s20+$0xFFFFFFE0]  }
0x59: {  	v6 =	vld [tilespmem:s20+$0xFFFFFFF0];
	s22 =	sor.u32 $0x8000, s19  }
0x5a: {  	s31 =	sand.u32 $0x1, s15;
	v4 =	vld [tilespmem:s20+$0x0];
	s21 =	sadd.s32 $0x0, s22  }
0x5b: {  	v3 =	vld [tilespmem:s20+$0x10];
	s19 =	smul.u32 $0x10200, s31;
	[tilespmem:s21+$0x3870 ss:$0x81] =	vst.msk $0xffff, v0  }
0x5c: {  	v2 =	vld [tilespmem:s20+$0x20];
	[tilespmem:s21+$0x810 ss:$0x81] =	vst.msk $0xffff, v1  }
0x5d: {  	s19 =	sshrl.u32 s19, $0x2;
	v1 =	vld [tilespmem:s20+$0xFFFFFFC0];
	[tilespmem:s21+$0x1020 ss:$0x81] =	vst.msk $0xffff, v5;
	s20 =	sadd.s32 $0x80, s20  }
0x5e: {  	s23 =	simm.s32 $0x4;
	s24 =	simm.s32 $0x8;
	s19 =	sor.u32 $0x8000, s19;
	[tilespmem:s21+$0x1830 ss:$0x81] =	vst.msk $0xffff, v6;
	v0 =	vld [tilespmem:s20+$0x30]  }
.LBB1_3:
0x5f: {  	p1 =	sne.s32 s24, $0x1FC;
	v5 =	vld [tilespmem:s20+$0xFFFFFFD0];
	[tilespmem:s21+$0x2040 ss:$0x81] =	vst.msk $0xffff, v4  }
0x60: {  	v6 =	vld [tilespmem:s20+$0xFFFFFFE0];
	[tilespmem:s21+$0x2850 ss:$0x81] =	vst.msk $0xffff, v3  }
0x61: {  	s25 =	sshra.s32 s23, $0x2;
	s23 =	smov.u32 s24;
	v7 =	vld [tilespmem:s20+$0xFFFFFFF0];
	[tilespmem:s21+$0x3060 ss:$0x81] =	vst.msk $0xffff, v2  }
.Ltmp3:
0x62: {  	v4 =	vld [tilespmem:s20+$0x0];
	[tilespmem:s21+$0x0 ss:$0x81] =	vst.msk $0xffff, v1;
	s21 =	sadd.s32 s25, s22;
	(pc) =	sbr.rel @p1 .LBB1_3-.Ltmp3, $4  }
0x63: {  	v3 =	vld [tilespmem:s20+$0x10];
	[tilespmem:s21+$0x3870 ss:$0x81] =	vst.msk $0xffff, v0  }
0x64: {  	[tilespmem:s21+$0x810 ss:$0x81] =	vst.msk $0xffff, v5;
	v2 =	vld [tilespmem:s20+$0x20]  }
0x65: {  	v1 =	vld [tilespmem:s20+$0xFFFFFFC0];
	[tilespmem:s21+$0x1020 ss:$0x81] =	vst.msk $0xffff, v6;
	s20 =	sadd.s32 $0x80, s20  }
0x66: {  	s24 =	sadd.s32 $0x4, s24;
	v0 =	vld [tilespmem:s20+$0x30];
	[tilespmem:s21+$0x1830 ss:$0x81] =	vst.msk $0xffff, v7  }
.Ltmp4:
0x67: {  	_ = 	snop;
	(pc) =	sbr.rel .LBB1_4-.Ltmp4, $1  }
0x68: {  	_ =	sdelay $0x3  }
.LBB1_6:
0x69: {  	_ =	sfence.sel $0x180000  }
0x6a: {  	s2 =	simm.s32 $0x1;
	[bflag:$0x0] =	sbarrier.arrive $0xFFFF  }
0x6b: {  	s31 =	simm.s32 $0x2;
	[sflag:s2] =	ssyncpa.u1 $0x1  }
0x6c: {  	[sflag:s31] =	ssyncpa.u1 $0x1  }
0x6d: {  	p0 =	sne.s32 s0, $0x0;
	_ =	strace $0x9000004A  }
0x6e: {  	s0 =	sadd.s32 @!p0 $0x100000, s1;
	[bflag:$0x2] =	sbarrier.arrive $0xFFFF  }
0x6f: {  	[sflag:s0] =	ssyncadd.tile.s32 @!p0 $0x1;
	_ =	shalt  }
.Lfunc_end1:
_tile_overlayer_lowered:
.L_overlay_start_2:
0x70: {  	(tag) =	ssettag $0x2  }
0x71: {  	s0 =	rddreg [dreg:$0x0];
	s2 =	stileid.u32  }
0x72: {  	s1 =	rddreg [dreg:$0x1];
	p0 =	sne.s32 s2, $0x0  }
0x73: {  	s3 =	rddreg [dreg:$0x2];
	[bflag:$0x3] =	sbarrier.arrive $0xFFFF;
	s2 =	simm.s32 @!p0 $0x1C01  }
0x74: {  	[timem:s3], [sflag:s2] =	dma.local @!p0 [hbm:s0], s1  }
0x75: {  	s0 =	simm.s32 @!p0 $0x1  }
0x76: {  	_ =	swait.ge @!p0 [sflag:s0], s1  }
0x77: {  	s1 =	ssub.s32 @!p0 $0x0, s1;
	[sflag:s0] =	ssyncset.done @!p0 $0x0  }
0x78: {  	[sflag:s0] =	ssyncadd.s32 @!p0 s1  }
0x79: {  	[bflag:$0x3] =	sbarrier.arrive $0xFFFF  }
0x7a: {  	_ =	shalt  }

</sc_bundles>
